<compile_context>
chip_gen: v7x
topology: tpu7x:2x2x1
jax: 0.10.2.dev20260603
libtpu: 0.0.44.dev20260713+nightly
codegen_flags: <defaults>
</compile_context>

<pallas_src>
import jax
import jax.numpy as jnp
from jax import lax
from jax.experimental import pallas as pl
from jax.experimental.pallas import tpu as pltpu
from jax.experimental.pallas import tpu_sc as plsc

_TOTAL = 16384
_B = 16
_NW = 32
_CHUNK = _TOTAL // _NW
_NV = _CHUNK // 16


_GATHER_DNUMS = lax.GatherDimensionNumbers(
    offset_dims=(), collapsed_slice_dims=(0,), start_index_map=(0,))


def _shuffle(x, idx):
    return lax.gather(x, idx[:, None], _GATHER_DNUMS, (1,),
                      mode=lax.GatherScatterMode.PROMISE_IN_BOUNDS)


def _allsum(x, lanes):
    for sh in (1, 2, 4, 8):
        x = x + _shuffle(x, lanes ^ sh)
    return x


def _prefix_sum(x, lanes, zf):
    for sh in (1, 2, 4, 8):
        shifted = _shuffle(x, jnp.maximum(lanes - sh, 0))
        x = x + jnp.where(lanes >= sh, shifted, zf)
    return x


def _sc_body(score_hbm, target_hbm, length_hbm, out_hbm,
             score_v, target_v, len_v, part_v, lsem, ssem, tsem):
    cid = lax.axis_index("c")
    sid = lax.axis_index("s")
    wid = cid * 16 + sid

    lanes = lax.iota(jnp.int32, 16)
    base = pl.multiple_of(wid * _CHUNK, 8)
    cl = pltpu.async_copy(length_hbm, len_v, lsem)
    cs = pltpu.async_copy(score_hbm.at[pl.ds(base, _CHUNK)], score_v, ssem)
    ct = pltpu.async_copy(target_hbm.at[pl.ds(base, _CHUNK)], target_v, tsem)
    cl.wait()

    zf = jnp.zeros((16,), jnp.float32)
    onesf = jnp.ones((16,), jnp.float32)
    cumf = _prefix_sum(len_v[...].astype(jnp.float32), lanes, zf)
    basef = base.astype(jnp.float32)
    s0 = _allsum(jnp.where(cumf <= basef, onesf, zf), lanes).astype(jnp.int32)
    s1 = jnp.minimum(s0 + 1, _B - 1)
    e0 = _allsum(jnp.where(lanes == s0, cumf, zf), lanes).astype(jnp.int32)

    def step(j, accs):
        a0t, a0s, a0d, tt, ts_, td = accs
        off = j * 16
        t = target_v[pl.ds(off, 16)]
        s = score_v[pl.ds(off, 16)]
        idx = base + off + lanes
        te = jnp.exp(t)
        se = jnp.exp(s)
        d = te * s
        m0 = idx < e0
        a0t = a0t + jnp.where(m0, te, zf)
        a0s = a0s + jnp.where(m0, se, zf)
        a0d = a0d + jnp.where(m0, d, zf)
        tt = tt + te
        ts_ = ts_ + se
        td = td + d
        return (a0t, a0s, a0d, tt, ts_, td)

    cs.wait()
    ct.wait()
    accs = lax.fori_loop(0, _NV, step, (zf,) * 6, unroll=4)
    for q in range(3):
        tot0 = _allsum(accs[q], lanes)
        tot1 = _allsum(accs[3 + q], lanes) - tot0
        part_v[q, :] = (jnp.where(lanes == s0, tot0, zf)
                        + jnp.where(lanes == s1, tot1, zf))
    pltpu.sync_copy(part_v, out_hbm.at[wid])


def _tc_epilogue(parts_ref, out_ref):
    x = parts_ref[...]
    ts = jnp.sum(x[:, 0, :], axis=0)
    ss = jnp.sum(x[:, 1, :], axis=0)
    dd = jnp.sum(x[:, 2, :], axis=0)
    losses = jnp.log(ss) - dd / ts
    msk = jnp.abs(losses) > 0.0
    cnt = jnp.sum(msk.astype(jnp.float32))
    kept = jnp.sum(jnp.where(msk, losses, 0.0))
    res = jnp.where(cnt == 0.0, kept, kept / jnp.maximum(cnt, 1.0))
    out_ref[...] = jnp.broadcast_to(res, (1, 1))


@jax.jit
def kernel(score, target, length):
    mesh = plsc.VectorSubcoreMesh(core_axis_name="c", subcore_axis_name="s")
    parts = pl.kernel(
        _sc_body,
        out_type=jax.ShapeDtypeStruct((_NW, 3, 16), jnp.float32),
        mesh=mesh,
        scratch_types=[
            pltpu.VMEM((_CHUNK,), jnp.float32),
            pltpu.VMEM((_CHUNK,), jnp.float32),
            pltpu.VMEM((_B,), jnp.int32),
            pltpu.VMEM((3, 16), jnp.float32),
            pltpu.SemaphoreType.DMA,
            pltpu.SemaphoreType.DMA,
            pltpu.SemaphoreType.DMA,
        ],
    )(score, target, length)
    res = pl.pallas_call(
        _tc_epilogue,
        out_shape=jax.ShapeDtypeStruct((1, 1), jnp.float32),
    )(parts)
    return res[0, 0]

# --- scband reference (transcript-rebuilt; emitter-appended) ---
"""Pipeline reference for scband-base-rank-loss-6055903887433 (READ-ONLY COPY).

The authoritative reference and input builder live on the scoring server;
editing this copy changes nothing except your own understanding.
"""

import jax, jax.numpy as jnp
import numpy as np


def _listwise_loss(score, target, seg, B):
    # Concrete per-list ranking loss (listwise softmax cross-entropy / ListNet),
    # standing in for the abstract self(score_of_list, target_of_list).
    tm = jax.ops.segment_max(target, seg, num_segments=B)
    te = jnp.exp(target - tm[seg])
    ts = jax.ops.segment_sum(te, seg, num_segments=B)
    p = te / ts[seg]
    sm = jax.ops.segment_max(score, seg, num_segments=B)
    se = jnp.exp(score - sm[seg])
    ss = jax.ops.segment_sum(se, seg, num_segments=B)
    logq = (score - sm[seg]) - jnp.log(ss)[seg]
    return -jax.ops.segment_sum(p * logq, seg, num_segments=B)


def setup_inputs(seed: int = 0):
    key = jax.random.key(seed)
    k1, k2 = jax.random.split(key)
    B, total = 16, 16384
    rng = np.random.default_rng(0)
    d = rng.integers(-400, 400, size=B // 2)
    deltas = np.concatenate([d, -d])
    length = (total // B + deltas).astype(np.int32)
    assert int(length.sum()) == total and bool((length > 0).all())
    score = jax.random.normal(k1, (total,), dtype=jnp.float32)
    target = jax.random.uniform(k2, (total,), dtype=jnp.float32)
    return {"score": score, "target": target, "length": jnp.asarray(length)}


def reference(score, target, length):
    # forward_per_list: split flat score/target into ragged lists by `length`,
    # compute per-list loss, drop exact-zero losses, mean the rest.
    B = length.shape[0]
    total = score.shape[0]
    seg = jnp.repeat(jnp.arange(B), length, total_repeat_length=total)
    losses = _listwise_loss(score, target, seg, B)
    mask = jnp.abs(losses) > 0.0
    cnt = mask.sum()
    kept = jnp.where(mask, losses, 0.0)
    # if no nonzero losses: sum of empty = 0.0, else mean of kept
    return jnp.where(cnt == 0, jnp.sum(kept), jnp.sum(kept) / jnp.maximum(cnt, 1))

if __name__ == "__main__":
    import jax
    _d = setup_inputs()
    print(jax.jit(kernel)(*tuple(_d.values())))

</pallas_src>

<mosaic_0001>
#map = affine_map<(d0, d1) -> (0)>
#map1 = affine_map<(d0, d1) -> (0, 0, 0)>
module attributes {stable_mosaic.version = 14 : i64} {
  func.func @_sc_body(%arg0: i32, %arg1: i32, %arg2: memref<16384xf32, #tpu.memory_space<hbm>>, %arg3: memref<16384xf32, #tpu.memory_space<hbm>>, %arg4: memref<16xi32, #tpu.memory_space<hbm>>, %arg5: memref<32x3x16xf32, #tpu.memory_space<hbm>>, %arg6: memref<512xf32, #tpu.memory_space<vmem>>, %arg7: memref<512xf32, #tpu.memory_space<vmem>>, %arg8: memref<16xi32, #tpu.memory_space<vmem>>, %arg9: memref<3x16xf32, #tpu.memory_space<vmem>>, %arg10: memref<!tpu.dma_semaphore, #tpu.memory_space<semaphore_mem>>, %arg11: memref<!tpu.dma_semaphore, #tpu.memory_space<semaphore_mem>>, %arg12: memref<!tpu.dma_semaphore, #tpu.memory_space<semaphore_mem>>) attributes {dimension_semantics = [#tpu.dimension_semantics<core_parallel>, #tpu.dimension_semantics<subcore_parallel>], iteration_bounds = array<i64: 2, 16>, scalar_prefetch = 0 : i64, scratch_operands = 7 : i64, tpu.core_type = #tpu.core_type<sc_vector_subcore>, window_params = [{transform_indices = #map}, {transform_indices = #map}, {transform_indices = #map}, {transform_indices = #map1}]} {
    %mul3A = arith.constant 16 : i32
    %mul3A_0 = arith.muli %arg0, %mul3A : i32
    %add3A = arith.addi %mul3A_0, %arg1 : i32
    %iota3A = tpu.iota {dimensions = array<i32: 0>} : vector<16xi32>
    %mul3A_1 = arith.constant 512 : i32
    %mul3A_2 = arith.muli %add3A, %mul3A_1 : i32
    %multiple_of3A = tpu.assume_multiple %mul3A_2, 8 : i32
    tpu.enqueue_dma source(%arg4 : memref<16xi32, #tpu.memory_space<hbm>>) target(%arg8 : memref<16xi32, #tpu.memory_space<vmem>>) target_semaphore(%arg10 : memref<!tpu.dma_semaphore, #tpu.memory_space<semaphore_mem>>)
    %dma_start3A = tpu.memref_slice %arg2[%multiple_of3A] : memref<16384xf32, #tpu.memory_space<hbm>> -> memref<512xf32, #tpu.memory_space<hbm>>
    %dma_start3A_3 = tpu.memref_slice %arg2[%multiple_of3A] : memref<16384xf32, #tpu.memory_space<hbm>> -> memref<512xf32, #tpu.memory_space<hbm>>
    tpu.enqueue_dma source(%dma_start3A_3 : memref<512xf32, #tpu.memory_space<hbm>>) target(%arg6 : memref<512xf32, #tpu.memory_space<vmem>>) target_semaphore(%arg11 : memref<!tpu.dma_semaphore, #tpu.memory_space<semaphore_mem>>)
    %dma_start3A_4 = tpu.memref_slice %arg3[%multiple_of3A] : memref<16384xf32, #tpu.memory_space<hbm>> -> memref<512xf32, #tpu.memory_space<hbm>>
    %dma_start3A_5 = tpu.memref_slice %arg3[%multiple_of3A] : memref<16384xf32, #tpu.memory_space<hbm>> -> memref<512xf32, #tpu.memory_space<hbm>>
    tpu.enqueue_dma source(%dma_start3A_5 : memref<512xf32, #tpu.memory_space<hbm>>) target(%arg7 : memref<512xf32, #tpu.memory_space<vmem>>) target_semaphore(%arg12 : memref<!tpu.dma_semaphore, #tpu.memory_space<semaphore_mem>>)
    tpu.wait_dma2 semaphore(%arg10 : memref<!tpu.dma_semaphore, #tpu.memory_space<semaphore_mem>>) src(%arg4 : memref<16xi32, #tpu.memory_space<hbm>>) dst(%arg8 : memref<16xi32, #tpu.memory_space<vmem>>)
    %broadcast_in_dim3A = arith.constant 0.000000e+00 : f32
    %broadcast_in_dim3A_6 = vector.broadcast %broadcast_in_dim3A : f32 to vector<16xf32>
    %broadcast_in_dim3A_7 = arith.constant 1.000000e+00 : f32
    %broadcast_in_dim3A_8 = vector.broadcast %broadcast_in_dim3A_7 : f32 to vector<16xf32>
    %get3A = arith.constant 0 : index
    %get3A_9 = tpu.vector_load %arg8[%get3A] {strides = array<i32>} : memref<16xi32, #tpu.memory_space<vmem>>, vector<16xi32>,
    %get3A_10 = vector.shape_cast %get3A_9 : vector<16xi32> to vector<16xi32>
    %convert_element_type3A = arith.sitofp %get3A_10 : vector<16xi32> to vector<16xf32>
    %sub3A = arith.constant 1 : i32
    %sub3A_11 = vector.broadcast %sub3A : i32 to vector<16xi32>
    %sub3A_12 = arith.subi %iota3A, %sub3A_11 : vector<16xi32>
    %max3A = arith.constant 0 : i32
    %max3A_13 = vector.broadcast %max3A : i32 to vector<16xi32>
    %max3A_14 = arith.maxsi %sub3A_12, %max3A_13 : vector<16xi32>
    %broadcast_in_dim3A_15 = vector.shape_cast %max3A_14 : vector<16xi32> to vector<16x1xi32>
    %gather3A = vector.shape_cast %broadcast_in_dim3A_15 : vector<16x1xi32> to vector<16xi32>
    %gather3A_16 = tpu.dynamic_gather %convert_element_type3A[%gather3A] in [0] : vector<16xf32>, vector<16xi32> -> vector<16xf32>
    %ge3A = arith.constant 1 : i32
    %ge3A_17 = vector.broadcast %ge3A : i32 to vector<16xi32>
    %ge3A_18 = arith.cmpi sge, %iota3A, %ge3A_17 : vector<16xi32>
    %select_n3A = arith.select %ge3A_18, %gather3A_16, %broadcast_in_dim3A_6 : vector<16xi1>, vector<16xf32>
    %add3A_19 = arith.addf %convert_element_type3A, %select_n3A : vector<16xf32>
    %sub3A_20 = arith.constant 2 : i32
    %sub3A_21 = vector.broadcast %sub3A_20 : i32 to vector<16xi32>
    %sub3A_22 = arith.subi %iota3A, %sub3A_21 : vector<16xi32>
    %max3A_23 = arith.constant 0 : i32
    %max3A_24 = vector.broadcast %max3A_23 : i32 to vector<16xi32>
    %max3A_25 = arith.maxsi %sub3A_22, %max3A_24 : vector<16xi32>
    %broadcast_in_dim3A_26 = vector.shape_cast %max3A_25 : vector<16xi32> to vector<16x1xi32>
    %gather3A_27 = vector.shape_cast %broadcast_in_dim3A_26 : vector<16x1xi32> to vector<16xi32>
    %gather3A_28 = tpu.dynamic_gather %add3A_19[%gather3A_27] in [0] : vector<16xf32>, vector<16xi32> -> vector<16xf32>
    %ge3A_29 = arith.constant 2 : i32
    %ge3A_30 = vector.broadcast %ge3A_29 : i32 to vector<16xi32>
    %ge3A_31 = arith.cmpi sge, %iota3A, %ge3A_30 : vector<16xi32>
    %select_n3A_32 = arith.select %ge3A_31, %gather3A_28, %broadcast_in_dim3A_6 : vector<16xi1>, vector<16xf32>
    %add3A_33 = arith.addf %add3A_19, %select_n3A_32 : vector<16xf32>
    %sub3A_34 = arith.constant 4 : i32
    %sub3A_35 = vector.broadcast %sub3A_34 : i32 to vector<16xi32>
    %sub3A_36 = arith.subi %iota3A, %sub3A_35 : vector<16xi32>
    %max3A_37 = arith.constant 0 : i32
    %max3A_38 = vector.broadcast %max3A_37 : i32 to vector<16xi32>
    %max3A_39 = arith.maxsi %sub3A_36, %max3A_38 : vector<16xi32>
    %broadcast_in_dim3A_40 = vector.shape_cast %max3A_39 : vector<16xi32> to vector<16x1xi32>
    %gather3A_41 = vector.shape_cast %broadcast_in_dim3A_40 : vector<16x1xi32> to vector<16xi32>
    %gather3A_42 = tpu.dynamic_gather %add3A_33[%gather3A_41] in [0] : vector<16xf32>, vector<16xi32> -> vector<16xf32>
    %ge3A_43 = arith.constant 4 : i32
    %ge3A_44 = vector.broadcast %ge3A_43 : i32 to vector<16xi32>
    %ge3A_45 = arith.cmpi sge, %iota3A, %ge3A_44 : vector<16xi32>
    %select_n3A_46 = arith.select %ge3A_45, %gather3A_42, %broadcast_in_dim3A_6 : vector<16xi1>, vector<16xf32>
    %add3A_47 = arith.addf %add3A_33, %select_n3A_46 : vector<16xf32>
    %sub3A_48 = arith.constant 8 : i32
    %sub3A_49 = vector.broadcast %sub3A_48 : i32 to vector<16xi32>
    %sub3A_50 = arith.subi %iota3A, %sub3A_49 : vector<16xi32>
    %max3A_51 = arith.constant 0 : i32
    %max3A_52 = vector.broadcast %max3A_51 : i32 to vector<16xi32>
    %max3A_53 = arith.maxsi %sub3A_50, %max3A_52 : vector<16xi32>
    %broadcast_in_dim3A_54 = vector.shape_cast %max3A_53 : vector<16xi32> to vector<16x1xi32>
    %gather3A_55 = vector.shape_cast %broadcast_in_dim3A_54 : vector<16x1xi32> to vector<16xi32>
    %gather3A_56 = tpu.dynamic_gather %add3A_47[%gather3A_55] in [0] : vector<16xf32>, vector<16xi32> -> vector<16xf32>
    %ge3A_57 = arith.constant 8 : i32
    %ge3A_58 = vector.broadcast %ge3A_57 : i32 to vector<16xi32>
    %ge3A_59 = arith.cmpi sge, %iota3A, %ge3A_58 : vector<16xi32>
    %select_n3A_60 = arith.select %ge3A_59, %gather3A_56, %broadcast_in_dim3A_6 : vector<16xi1>, vector<16xf32>
    %add3A_61 = arith.addf %add3A_47, %select_n3A_60 : vector<16xf32>
    %convert_element_type3A_62 = arith.sitofp %multiple_of3A : i32 to f32
    %le3A = vector.broadcast %convert_element_type3A_62 : f32 to vector<16xf32>
    %le3A_63 = arith.cmpf ole, %add3A_61, %le3A : vector<16xf32>
    %select_n3A_64 = arith.select %le3A_63, %broadcast_in_dim3A_8, %broadcast_in_dim3A_6 : vector<16xi1>, vector<16xf32>
    %xor3A = arith.constant 1 : i32
    %xor3A_65 = vector.broadcast %xor3A : i32 to vector<16xi32>
    %xor3A_66 = arith.xori %iota3A, %xor3A_65 : vector<16xi32>
    %broadcast_in_dim3A_67 = vector.shape_cast %xor3A_66 : vector<16xi32> to vector<16x1xi32>
    %gather3A_68 = vector.shape_cast %broadcast_in_dim3A_67 : vector<16x1xi32> to vector<16xi32>
    %gather3A_69 = tpu.dynamic_gather %select_n3A_64[%gather3A_68] in [0] : vector<16xf32>, vector<16xi32> -> vector<16xf32>
    %add3A_70 = arith.addf %select_n3A_64, %gather3A_69 : vector<16xf32>
    %xor3A_71 = arith.constant 2 : i32
    %xor3A_72 = vector.broadcast %xor3A_71 : i32 to vector<16xi32>
    %xor3A_73 = arith.xori %iota3A, %xor3A_72 : vector<16xi32>
    %broadcast_in_dim3A_74 = vector.shape_cast %xor3A_73 : vector<16xi32> to vector<16x1xi32>
    %gather3A_75 = vector.shape_cast %broadcast_in_dim3A_74 : vector<16x1xi32> to vector<16xi32>
    %gather3A_76 = tpu.dynamic_gather %add3A_70[%gather3A_75] in [0] : vector<16xf32>, vector<16xi32> -> vector<16xf32>
    %add3A_77 = arith.addf %add3A_70, %gather3A_76 : vector<16xf32>
    %xor3A_78 = arith.constant 4 : i32
    %xor3A_79 = vector.broadcast %xor3A_78 : i32 to vector<16xi32>
    %xor3A_80 = arith.xori %iota3A, %xor3A_79 : vector<16xi32>
    %broadcast_in_dim3A_81 = vector.shape_cast %xor3A_80 : vector<16xi32> to vector<16x1xi32>
    %gather3A_82 = vector.shape_cast %broadcast_in_dim3A_81 : vector<16x1xi32> to vector<16xi32>
    %gather3A_83 = tpu.dynamic_gather %add3A_77[%gather3A_82] in [0] : vector<16xf32>, vector<16xi32> -> vector<16xf32>
    %add3A_84 = arith.addf %add3A_77, %gather3A_83 : vector<16xf32>
    %xor3A_85 = arith.constant 8 : i32
    %xor3A_86 = vector.broadcast %xor3A_85 : i32 to vector<16xi32>
    %xor3A_87 = arith.xori %iota3A, %xor3A_86 : vector<16xi32>
    %broadcast_in_dim3A_88 = vector.shape_cast %xor3A_87 : vector<16xi32> to vector<16x1xi32>
    %gather3A_89 = vector.shape_cast %broadcast_in_dim3A_88 : vector<16x1xi32> to vector<16xi32>
    %gather3A_90 = tpu.dynamic_gather %add3A_84[%gather3A_89] in [0] : vector<16xf32>, vector<16xi32> -> vector<16xf32>
    %add3A_91 = arith.addf %add3A_84, %gather3A_90 : vector<16xf32>
    %convert_element_type3A_92 = arith.fptosi %add3A_91 : vector<16xf32> to vector<16xi32>
    %add3A_93 = arith.constant 1 : i32
    %add3A_94 = vector.broadcast %add3A_93 : i32 to vector<16xi32>
    %add3A_95 = arith.addi %convert_element_type3A_92, %add3A_94 : vector<16xi32>
    %min3A = arith.constant 15 : i32
    %min3A_96 = vector.broadcast %min3A : i32 to vector<16xi32>
    %min3A_97 = arith.minsi %add3A_95, %min3A_96 : vector<16xi32>
    %eq3A = arith.cmpi eq, %iota3A, %convert_element_type3A_92 : vector<16xi32>
    %select_n3A_98 = arith.select %eq3A, %add3A_61, %broadcast_in_dim3A_6 : vector<16xi1>, vector<16xf32>
    %xor3A_99 = arith.constant 1 : i32
    %xor3A_100 = vector.broadcast %xor3A_99 : i32 to vector<16xi32>
    %xor3A_101 = arith.xori %iota3A, %xor3A_100 : vector<16xi32>
    %broadcast_in_dim3A_102 = vector.shape_cast %xor3A_101 : vector<16xi32> to vector<16x1xi32>
    %gather3A_103 = vector.shape_cast %broadcast_in_dim3A_102 : vector<16x1xi32> to vector<16xi32>
    %gather3A_104 = tpu.dynamic_gather %select_n3A_98[%gather3A_103] in [0] : vector<16xf32>, vector<16xi32> -> vector<16xf32>
    %add3A_105 = arith.addf %select_n3A_98, %gather3A_104 : vector<16xf32>
    %xor3A_106 = arith.constant 2 : i32
    %xor3A_107 = vector.broadcast %xor3A_106 : i32 to vector<16xi32>
    %xor3A_108 = arith.xori %iota3A, %xor3A_107 : vector<16xi32>
    %broadcast_in_dim3A_109 = vector.shape_cast %xor3A_108 : vector<16xi32> to vector<16x1xi32>
    %gather3A_110 = vector.shape_cast %broadcast_in_dim3A_109 : vector<16x1xi32> to vector<16xi32>
    %gather3A_111 = tpu.dynamic_gather %add3A_105[%gather3A_110] in [0] : vector<16xf32>, vector<16xi32> -> vector<16xf32>
    %add3A_112 = arith.addf %add3A_105, %gather3A_111 : vector<16xf32>
    %xor3A_113 = arith.constant 4 : i32
    %xor3A_114 = vector.broadcast %xor3A_113 : i32 to vector<16xi32>
    %xor3A_115 = arith.xori %iota3A, %xor3A_114 : vector<16xi32>
    %broadcast_in_dim3A_116 = vector.shape_cast %xor3A_115 : vector<16xi32> to vector<16x1xi32>
    %gather3A_117 = vector.shape_cast %broadcast_in_dim3A_116 : vector<16x1xi32> to vector<16xi32>
    %gather3A_118 = tpu.dynamic_gather %add3A_112[%gather3A_117] in [0] : vector<16xf32>, vector<16xi32> -> vector<16xf32>
    %add3A_119 = arith.addf %add3A_112, %gather3A_118 : vector<16xf32>
    %xor3A_120 = arith.constant 8 : i32
    %xor3A_121 = vector.broadcast %xor3A_120 : i32 to vector<16xi32>
    %xor3A_122 = arith.xori %iota3A, %xor3A_121 : vector<16xi32>
    %broadcast_in_dim3A_123 = vector.shape_cast %xor3A_122 : vector<16xi32> to vector<16x1xi32>
    %gather3A_124 = vector.shape_cast %broadcast_in_dim3A_123 : vector<16x1xi32> to vector<16xi32>
    %gather3A_125 = tpu.dynamic_gather %add3A_119[%gather3A_124] in [0] : vector<16xf32>, vector<16xi32> -> vector<16xf32>
    %add3A_126 = arith.addf %add3A_119, %gather3A_125 : vector<16xf32>
    %convert_element_type3A_127 = arith.fptosi %add3A_126 : vector<16xf32> to vector<16xi32>
    %dma_wait3A = tpu.memref_slice %arg2[%multiple_of3A] : memref<16384xf32, #tpu.memory_space<hbm>> -> memref<512xf32, #tpu.memory_space<hbm>>
    %dma_wait3A_128 = tpu.memref_slice %arg2[%multiple_of3A] : memref<16384xf32, #tpu.memory_space<hbm>> -> memref<512xf32, #tpu.memory_space<hbm>>
    tpu.wait_dma2 semaphore(%arg11 : memref<!tpu.dma_semaphore, #tpu.memory_space<semaphore_mem>>) src(%dma_wait3A_128 : memref<512xf32, #tpu.memory_space<hbm>>) dst(%arg6 : memref<512xf32, #tpu.memory_space<vmem>>)
    %dma_wait3A_129 = tpu.memref_slice %arg3[%multiple_of3A] : memref<16384xf32, #tpu.memory_space<hbm>> -> memref<512xf32, #tpu.memory_space<hbm>>
    %dma_wait3A_130 = tpu.memref_slice %arg3[%multiple_of3A] : memref<16384xf32, #tpu.memory_space<hbm>> -> memref<512xf32, #tpu.memory_space<hbm>>
    tpu.wait_dma2 semaphore(%arg12 : memref<!tpu.dma_semaphore, #tpu.memory_space<semaphore_mem>>) src(%dma_wait3A_130 : memref<512xf32, #tpu.memory_space<hbm>>) dst(%arg7 : memref<512xf32, #tpu.memory_space<vmem>>)
    %scan3A = arith.constant 0 : i32
    %scan3A_131 = arith.constant 32 : i32
    %scan3A_132 = arith.addi %scan3A, %scan3A_131 : i32
    %scan3A_133 = arith.constant 4 : i32
    %scan3A_134:6 = scf.for %scan3A_339 = %scan3A to %scan3A_132 step %scan3A_133 iter_args(%scan3A_340 = %broadcast_in_dim3A_6, %scan3A_341 = %broadcast_in_dim3A_6, %scan3A_342 = %broadcast_in_dim3A_6, %scan3A_343 = %broadcast_in_dim3A_6, %scan3A_344 = %broadcast_in_dim3A_6, %scan3A_345 = %broadcast_in_dim3A_6) -> (vector<16xf32>, vector<16xf32>, vector<16xf32>, vector<16xf32>, vector<16xf32>, vector<16xf32>)  : i32 {
      %mul3A_346 = arith.constant 16 : i32
      %mul3A_347 = arith.muli %scan3A_339, %mul3A_346 : i32
      %get3A_348 = arith.index_cast %mul3A_347 : i32 to index
      %get3A_349 = tpu.vector_load %arg7[%get3A_348] {strides = array<i32>} : memref<512xf32, #tpu.memory_space<vmem>>, vector<16xf32>,
      %get3A_350 = vector.shape_cast %get3A_349 : vector<16xf32> to vector<16xf32>
      %get3A_351 = arith.index_cast %mul3A_347 : i32 to index
      %get3A_352 = tpu.vector_load %arg6[%get3A_351] {strides = array<i32>} : memref<512xf32, #tpu.memory_space<vmem>>, vector<16xf32>,
      %get3A_353 = vector.shape_cast %get3A_352 : vector<16xf32> to vector<16xf32>
      %add3A_354 = arith.addi %multiple_of3A, %mul3A_347 : i32
      %add3A_355 = vector.broadcast %add3A_354 : i32 to vector<16xi32>
      %add3A_356 = arith.addi %add3A_355, %iota3A : vector<16xi32>
      %exp3A = math.exp %get3A_350 : vector<16xf32>
      %exp3A_357 = math.exp %get3A_353 : vector<16xf32>
      %mul3A_358 = arith.mulf %exp3A, %get3A_353 : vector<16xf32>
      %lt3A = arith.cmpi slt, %add3A_356, %convert_element_type3A_127 : vector<16xi32>
      %select_n3A_359 = arith.select %lt3A, %exp3A, %broadcast_in_dim3A_6 : vector<16xi1>, vector<16xf32>
      %add3A_360 = arith.addf %scan3A_340, %select_n3A_359 : vector<16xf32>
      %select_n3A_361 = arith.select %lt3A, %exp3A_357, %broadcast_in_dim3A_6 : vector<16xi1>, vector<16xf32>
      %add3A_362 = arith.addf %scan3A_341, %select_n3A_361 : vector<16xf32>
      %select_n3A_363 = arith.select %lt3A, %mul3A_358, %broadcast_in_dim3A_6 : vector<16xi1>, vector<16xf32>
      %add3A_364 = arith.addf %scan3A_342, %select_n3A_363 : vector<16xf32>
      %add3A_365 = arith.addf %scan3A_343, %exp3A : vector<16xf32>
      %add3A_366 = arith.addf %scan3A_344, %exp3A_357 : vector<16xf32>
      %add3A_367 = arith.addf %scan3A_345, %mul3A_358 : vector<16xf32>
      %scan3A_368 = arith.constant 1 : i32
      %scan3A_369 = arith.addi %scan3A_339, %scan3A_368 : i32
      %mul3A_370 = arith.constant 16 : i32
      %mul3A_371 = arith.muli %scan3A_369, %mul3A_370 : i32
      %get3A_372 = arith.index_cast %mul3A_371 : i32 to index
      %get3A_373 = tpu.vector_load %arg7[%get3A_372] {strides = array<i32>} : memref<512xf32, #tpu.memory_space<vmem>>, vector<16xf32>,
      %get3A_374 = vector.shape_cast %get3A_373 : vector<16xf32> to vector<16xf32>
      %get3A_375 = arith.index_cast %mul3A_371 : i32 to index
      %get3A_376 = tpu.vector_load %arg6[%get3A_375] {strides = array<i32>} : memref<512xf32, #tpu.memory_space<vmem>>, vector<16xf32>,
      %get3A_377 = vector.shape_cast %get3A_376 : vector<16xf32> to vector<16xf32>
      %add3A_378 = arith.addi %multiple_of3A, %mul3A_371 : i32
      %add3A_379 = vector.broadcast %add3A_378 : i32 to vector<16xi32>
      %add3A_380 = arith.addi %add3A_379, %iota3A : vector<16xi32>
      %exp3A_381 = math.exp %get3A_374 : vector<16xf32>
      %exp3A_382 = math.exp %get3A_377 : vector<16xf32>
      %mul3A_383 = arith.mulf %exp3A_381, %get3A_377 : vector<16xf32>
      %lt3A_384 = arith.cmpi slt, %add3A_380, %convert_element_type3A_127 : vector<16xi32>
      %select_n3A_385 = arith.select %lt3A_384, %exp3A_381, %broadcast_in_dim3A_6 : vector<16xi1>, vector<16xf32>
      %add3A_386 = arith.addf %add3A_360, %select_n3A_385 : vector<16xf32>
      %select_n3A_387 = arith.select %lt3A_384, %exp3A_382, %broadcast_in_dim3A_6 : vector<16xi1>, vector<16xf32>
      %add3A_388 = arith.addf %add3A_362, %select_n3A_387 : vector<16xf32>
      %select_n3A_389 = arith.select %lt3A_384, %mul3A_383, %broadcast_in_dim3A_6 : vector<16xi1>, vector<16xf32>
      %add3A_390 = arith.addf %add3A_364, %select_n3A_389 : vector<16xf32>
      %add3A_391 = arith.addf %add3A_365, %exp3A_381 : vector<16xf32>
      %add3A_392 = arith.addf %add3A_366, %exp3A_382 : vector<16xf32>
      %add3A_393 = arith.addf %add3A_367, %mul3A_383 : vector<16xf32>
      %scan3A_394 = arith.constant 2 : i32
      %scan3A_395 = arith.addi %scan3A_339, %scan3A_394 : i32
      %mul3A_396 = arith.constant 16 : i32
      %mul3A_397 = arith.muli %scan3A_395, %mul3A_396 : i32
      %get3A_398 = arith.index_cast %mul3A_397 : i32 to index
      %get3A_399 = tpu.vector_load %arg7[%get3A_398] {strides = array<i32>} : memref<512xf32, #tpu.memory_space<vmem>>, vector<16xf32>,
      %get3A_400 = vector.shape_cast %get3A_399 : vector<16xf32> to vector<16xf32>
      %get3A_401 = arith.index_cast %mul3A_397 : i32 to index
      %get3A_402 = tpu.vector_load %arg6[%get3A_401] {strides = array<i32>} : memref<512xf32, #tpu.memory_space<vmem>>, vector<16xf32>,
      %get3A_403 = vector.shape_cast %get3A_402 : vector<16xf32> to vector<16xf32>
      %add3A_404 = arith.addi %multiple_of3A, %mul3A_397 : i32
      %add3A_405 = vector.broadcast %add3A_404 : i32 to vector<16xi32>
      %add3A_406 = arith.addi %add3A_405, %iota3A : vector<16xi32>
      %exp3A_407 = math.exp %get3A_400 : vector<16xf32>
      %exp3A_408 = math.exp %get3A_403 : vector<16xf32>
      %mul3A_409 = arith.mulf %exp3A_407, %get3A_403 : vector<16xf32>
      %lt3A_410 = arith.cmpi slt, %add3A_406, %convert_element_type3A_127 : vector<16xi32>
      %select_n3A_411 = arith.select %lt3A_410, %exp3A_407, %broadcast_in_dim3A_6 : vector<16xi1>, vector<16xf32>
      %add3A_412 = arith.addf %add3A_386, %select_n3A_411 : vector<16xf32>
      %select_n3A_413 = arith.select %lt3A_410, %exp3A_408, %broadcast_in_dim3A_6 : vector<16xi1>, vector<16xf32>
      %add3A_414 = arith.addf %add3A_388, %select_n3A_413 : vector<16xf32>
      %select_n3A_415 = arith.select %lt3A_410, %mul3A_409, %broadcast_in_dim3A_6 : vector<16xi1>, vector<16xf32>
      %add3A_416 = arith.addf %add3A_390, %select_n3A_415 : vector<16xf32>
      %add3A_417 = arith.addf %add3A_391, %exp3A_407 : vector<16xf32>
      %add3A_418 = arith.addf %add3A_392, %exp3A_408 : vector<16xf32>
      %add3A_419 = arith.addf %add3A_393, %mul3A_409 : vector<16xf32>
      %scan3A_420 = arith.constant 3 : i32
      %scan3A_421 = arith.addi %scan3A_339, %scan3A_420 : i32
      %mul3A_422 = arith.constant 16 : i32
      %mul3A_423 = arith.muli %scan3A_421, %mul3A_422 : i32
      %get3A_424 = arith.index_cast %mul3A_423 : i32 to index
      %get3A_425 = tpu.vector_load %arg7[%get3A_424] {strides = array<i32>} : memref<512xf32, #tpu.memory_space<vmem>>, vector<16xf32>,
      %get3A_426 = vector.shape_cast %get3A_425 : vector<16xf32> to vector<16xf32>
      %get3A_427 = arith.index_cast %mul3A_423 : i32 to index
      %get3A_428 = tpu.vector_load %arg6[%get3A_427] {strides = array<i32>} : memref<512xf32, #tpu.memory_space<vmem>>, vector<16xf32>,
      %get3A_429 = vector.shape_cast %get3A_428 : vector<16xf32> to vector<16xf32>
      %add3A_430 = arith.addi %multiple_of3A, %mul3A_423 : i32
      %add3A_431 = vector.broadcast %add3A_430 : i32 to vector<16xi32>
      %add3A_432 = arith.addi %add3A_431, %iota3A : vector<16xi32>
      %exp3A_433 = math.exp %get3A_426 : vector<16xf32>
      %exp3A_434 = math.exp %get3A_429 : vector<16xf32>
      %mul3A_435 = arith.mulf %exp3A_433, %get3A_429 : vector<16xf32>
      %lt3A_436 = arith.cmpi slt, %add3A_432, %convert_element_type3A_127 : vector<16xi32>
      %select_n3A_437 = arith.select %lt3A_436, %exp3A_433, %broadcast_in_dim3A_6 : vector<16xi1>, vector<16xf32>
      %add3A_438 = arith.addf %add3A_412, %select_n3A_437 : vector<16xf32>
      %select_n3A_439 = arith.select %lt3A_436, %exp3A_434, %broadcast_in_dim3A_6 : vector<16xi1>, vector<16xf32>
      %add3A_440 = arith.addf %add3A_414, %select_n3A_439 : vector<16xf32>
      %select_n3A_441 = arith.select %lt3A_436, %mul3A_435, %broadcast_in_dim3A_6 : vector<16xi1>, vector<16xf32>
      %add3A_442 = arith.addf %add3A_416, %select_n3A_441 : vector<16xf32>
      %add3A_443 = arith.addf %add3A_417, %exp3A_433 : vector<16xf32>
      %add3A_444 = arith.addf %add3A_418, %exp3A_434 : vector<16xf32>
      %add3A_445 = arith.addf %add3A_419, %mul3A_435 : vector<16xf32>
      scf.yield %add3A_438, %add3A_440, %add3A_442, %add3A_443, %add3A_444, %add3A_445 : vector<16xf32>, vector<16xf32>, vector<16xf32>, vector<16xf32>, vector<16xf32>, vector<16xf32>
    }
    %scan3A_135 = arith.constant 32 : i32
    %xor3A_136 = arith.constant 1 : i32
    %xor3A_137 = vector.broadcast %xor3A_136 : i32 to vector<16xi32>
    %xor3A_138 = arith.xori %iota3A, %xor3A_137 : vector<16xi32>
    %broadcast_in_dim3A_139 = vector.shape_cast %xor3A_138 : vector<16xi32> to vector<16x1xi32>
    %gather3A_140 = vector.shape_cast %broadcast_in_dim3A_139 : vector<16x1xi32> to vector<16xi32>
    %gather3A_141 = tpu.dynamic_gather %scan3A_134#0[%gather3A_140] in [0] : vector<16xf32>, vector<16xi32> -> vector<16xf32>
    %add3A_142 = arith.addf %scan3A_134#0, %gather3A_141 : vector<16xf32>
    %xor3A_143 = arith.constant 2 : i32
    %xor3A_144 = vector.broadcast %xor3A_143 : i32 to vector<16xi32>
    %xor3A_145 = arith.xori %iota3A, %xor3A_144 : vector<16xi32>
    %broadcast_in_dim3A_146 = vector.shape_cast %xor3A_145 : vector<16xi32> to vector<16x1xi32>
    %gather3A_147 = vector.shape_cast %broadcast_in_dim3A_146 : vector<16x1xi32> to vector<16xi32>
    %gather3A_148 = tpu.dynamic_gather %add3A_142[%gather3A_147] in [0] : vector<16xf32>, vector<16xi32> -> vector<16xf32>
    %add3A_149 = arith.addf %add3A_142, %gather3A_148 : vector<16xf32>
    %xor3A_150 = arith.constant 4 : i32
    %xor3A_151 = vector.broadcast %xor3A_150 : i32 to vector<16xi32>
    %xor3A_152 = arith.xori %iota3A, %xor3A_151 : vector<16xi32>
    %broadcast_in_dim3A_153 = vector.shape_cast %xor3A_152 : vector<16xi32> to vector<16x1xi32>
    %gather3A_154 = vector.shape_cast %broadcast_in_dim3A_153 : vector<16x1xi32> to vector<16xi32>
    %gather3A_155 = tpu.dynamic_gather %add3A_149[%gather3A_154] in [0] : vector<16xf32>, vector<16xi32> -> vector<16xf32>
    %add3A_156 = arith.addf %add3A_149, %gather3A_155 : vector<16xf32>
    %xor3A_157 = arith.constant 8 : i32
    %xor3A_158 = vector.broadcast %xor3A_157 : i32 to vector<16xi32>
    %xor3A_159 = arith.xori %iota3A, %xor3A_158 : vector<16xi32>
    %broadcast_in_dim3A_160 = vector.shape_cast %xor3A_159 : vector<16xi32> to vector<16x1xi32>
    %gather3A_161 = vector.shape_cast %broadcast_in_dim3A_160 : vector<16x1xi32> to vector<16xi32>
    %gather3A_162 = tpu.dynamic_gather %add3A_156[%gather3A_161] in [0] : vector<16xf32>, vector<16xi32> -> vector<16xf32>
    %add3A_163 = arith.addf %add3A_156, %gather3A_162 : vector<16xf32>
    %xor3A_164 = arith.constant 1 : i32
    %xor3A_165 = vector.broadcast %xor3A_164 : i32 to vector<16xi32>
    %xor3A_166 = arith.xori %iota3A, %xor3A_165 : vector<16xi32>
    %broadcast_in_dim3A_167 = vector.shape_cast %xor3A_166 : vector<16xi32> to vector<16x1xi32>
    %gather3A_168 = vector.shape_cast %broadcast_in_dim3A_167 : vector<16x1xi32> to vector<16xi32>
    %gather3A_169 = tpu.dynamic_gather %scan3A_134#3[%gather3A_168] in [0] : vector<16xf32>, vector<16xi32> -> vector<16xf32>
    %add3A_170 = arith.addf %scan3A_134#3, %gather3A_169 : vector<16xf32>
    %xor3A_171 = arith.constant 2 : i32
    %xor3A_172 = vector.broadcast %xor3A_171 : i32 to vector<16xi32>
    %xor3A_173 = arith.xori %iota3A, %xor3A_172 : vector<16xi32>
    %broadcast_in_dim3A_174 = vector.shape_cast %xor3A_173 : vector<16xi32> to vector<16x1xi32>
    %gather3A_175 = vector.shape_cast %broadcast_in_dim3A_174 : vector<16x1xi32> to vector<16xi32>
    %gather3A_176 = tpu.dynamic_gather %add3A_170[%gather3A_175] in [0] : vector<16xf32>, vector<16xi32> -> vector<16xf32>
    %add3A_177 = arith.addf %add3A_170, %gather3A_176 : vector<16xf32>
    %xor3A_178 = arith.constant 4 : i32
    %xor3A_179 = vector.broadcast %xor3A_178 : i32 to vector<16xi32>
    %xor3A_180 = arith.xori %iota3A, %xor3A_179 : vector<16xi32>
    %broadcast_in_dim3A_181 = vector.shape_cast %xor3A_180 : vector<16xi32> to vector<16x1xi32>
    %gather3A_182 = vector.shape_cast %broadcast_in_dim3A_181 : vector<16x1xi32> to vector<16xi32>
    %gather3A_183 = tpu.dynamic_gather %add3A_177[%gather3A_182] in [0] : vector<16xf32>, vector<16xi32> -> vector<16xf32>
    %add3A_184 = arith.addf %add3A_177, %gather3A_183 : vector<16xf32>
    %xor3A_185 = arith.constant 8 : i32
    %xor3A_186 = vector.broadcast %xor3A_185 : i32 to vector<16xi32>
    %xor3A_187 = arith.xori %iota3A, %xor3A_186 : vector<16xi32>
    %broadcast_in_dim3A_188 = vector.shape_cast %xor3A_187 : vector<16xi32> to vector<16x1xi32>
    %gather3A_189 = vector.shape_cast %broadcast_in_dim3A_188 : vector<16x1xi32> to vector<16xi32>
    %gather3A_190 = tpu.dynamic_gather %add3A_184[%gather3A_189] in [0] : vector<16xf32>, vector<16xi32> -> vector<16xf32>
    %add3A_191 = arith.addf %add3A_184, %gather3A_190 : vector<16xf32>
    %sub3A_192 = arith.subf %add3A_191, %add3A_163 : vector<16xf32>
    %eq3A_193 = arith.cmpi eq, %iota3A, %convert_element_type3A_92 : vector<16xi32>
    %select_n3A_194 = arith.select %eq3A_193, %add3A_163, %broadcast_in_dim3A_6 : vector<16xi1>, vector<16xf32>
    %eq3A_195 = arith.cmpi eq, %iota3A, %min3A_97 : vector<16xi32>
    %select_n3A_196 = arith.select %eq3A_195, %sub3A_192, %broadcast_in_dim3A_6 : vector<16xi1>, vector<16xf32>
    %add3A_197 = arith.addf %select_n3A_194, %select_n3A_196 : vector<16xf32>
    %swap3A = arith.constant 0 : i32
    %swap3A_198 = arith.index_cast %swap3A : i32 to index
    %swap3A_199 = arith.constant 0 : index
    %swap3A_200 = tpu.vector_load %arg9[%swap3A_198, %swap3A_199] {strides = array<i32>} : memref<3x16xf32, #tpu.memory_space<vmem>>, vector<1x16xf32>,
    %swap3A_201 = vector.shape_cast %swap3A_200 : vector<1x16xf32> to vector<16xf32>
    %swap3A_202 = vector.shape_cast %add3A_197 : vector<16xf32> to vector<1x16xf32>
    tpu.vector_store %arg9[%swap3A_198, %swap3A_199], %swap3A_202 {strides = array<i32>} : memref<3x16xf32, #tpu.memory_space<vmem>>, vector<1x16xf32>,
    %xor3A_203 = arith.constant 1 : i32
    %xor3A_204 = vector.broadcast %xor3A_203 : i32 to vector<16xi32>
    %xor3A_205 = arith.xori %iota3A, %xor3A_204 : vector<16xi32>
    %broadcast_in_dim3A_206 = vector.shape_cast %xor3A_205 : vector<16xi32> to vector<16x1xi32>
    %gather3A_207 = vector.shape_cast %broadcast_in_dim3A_206 : vector<16x1xi32> to vector<16xi32>
    %gather3A_208 = tpu.dynamic_gather %scan3A_134#1[%gather3A_207] in [0] : vector<16xf32>, vector<16xi32> -> vector<16xf32>
    %add3A_209 = arith.addf %scan3A_134#1, %gather3A_208 : vector<16xf32>
    %xor3A_210 = arith.constant 2 : i32
    %xor3A_211 = vector.broadcast %xor3A_210 : i32 to vector<16xi32>
    %xor3A_212 = arith.xori %iota3A, %xor3A_211 : vector<16xi32>
    %broadcast_in_dim3A_213 = vector.shape_cast %xor3A_212 : vector<16xi32> to vector<16x1xi32>
    %gather3A_214 = vector.shape_cast %broadcast_in_dim3A_213 : vector<16x1xi32> to vector<16xi32>
    %gather3A_215 = tpu.dynamic_gather %add3A_209[%gather3A_214] in [0] : vector<16xf32>, vector<16xi32> -> vector<16xf32>
    %add3A_216 = arith.addf %add3A_209, %gather3A_215 : vector<16xf32>
    %xor3A_217 = arith.constant 4 : i32
    %xor3A_218 = vector.broadcast %xor3A_217 : i32 to vector<16xi32>
    %xor3A_219 = arith.xori %iota3A, %xor3A_218 : vector<16xi32>
    %broadcast_in_dim3A_220 = vector.shape_cast %xor3A_219 : vector<16xi32> to vector<16x1xi32>
    %gather3A_221 = vector.shape_cast %broadcast_in_dim3A_220 : vector<16x1xi32> to vector<16xi32>
    %gather3A_222 = tpu.dynamic_gather %add3A_216[%gather3A_221] in [0] : vector<16xf32>, vector<16xi32> -> vector<16xf32>
    %add3A_223 = arith.addf %add3A_216, %gather3A_222 : vector<16xf32>
    %xor3A_224 = arith.constant 8 : i32
    %xor3A_225 = vector.broadcast %xor3A_224 : i32 to vector<16xi32>
    %xor3A_226 = arith.xori %iota3A, %xor3A_225 : vector<16xi32>
    %broadcast_in_dim3A_227 = vector.shape_cast %xor3A_226 : vector<16xi32> to vector<16x1xi32>
    %gather3A_228 = vector.shape_cast %broadcast_in_dim3A_227 : vector<16x1xi32> to vector<16xi32>
    %gather3A_229 = tpu.dynamic_gather %add3A_223[%gather3A_228] in [0] : vector<16xf32>, vector<16xi32> -> vector<16xf32>
    %add3A_230 = arith.addf %add3A_223, %gather3A_229 : vector<16xf32>
    %xor3A_231 = arith.constant 1 : i32
    %xor3A_232 = vector.broadcast %xor3A_231 : i32 to vector<16xi32>
    %xor3A_233 = arith.xori %iota3A, %xor3A_232 : vector<16xi32>
    %broadcast_in_dim3A_234 = vector.shape_cast %xor3A_233 : vector<16xi32> to vector<16x1xi32>
    %gather3A_235 = vector.shape_cast %broadcast_in_dim3A_234 : vector<16x1xi32> to vector<16xi32>
    %gather3A_236 = tpu.dynamic_gather %scan3A_134#4[%gather3A_235] in [0] : vector<16xf32>, vector<16xi32> -> vector<16xf32>
    %add3A_237 = arith.addf %scan3A_134#4, %gather3A_236 : vector<16xf32>
    %xor3A_238 = arith.constant 2 : i32
    %xor3A_239 = vector.broadcast %xor3A_238 : i32 to vector<16xi32>
    %xor3A_240 = arith.xori %iota3A, %xor3A_239 : vector<16xi32>
    %broadcast_in_dim3A_241 = vector.shape_cast %xor3A_240 : vector<16xi32> to vector<16x1xi32>
    %gather3A_242 = vector.shape_cast %broadcast_in_dim3A_241 : vector<16x1xi32> to vector<16xi32>
    %gather3A_243 = tpu.dynamic_gather %add3A_237[%gather3A_242] in [0] : vector<16xf32>, vector<16xi32> -> vector<16xf32>
    %add3A_244 = arith.addf %add3A_237, %gather3A_243 : vector<16xf32>
    %xor3A_245 = arith.constant 4 : i32
    %xor3A_246 = vector.broadcast %xor3A_245 : i32 to vector<16xi32>
    %xor3A_247 = arith.xori %iota3A, %xor3A_246 : vector<16xi32>
    %broadcast_in_dim3A_248 = vector.shape_cast %xor3A_247 : vector<16xi32> to vector<16x1xi32>
    %gather3A_249 = vector.shape_cast %broadcast_in_dim3A_248 : vector<16x1xi32> to vector<16xi32>
    %gather3A_250 = tpu.dynamic_gather %add3A_244[%gather3A_249] in [0] : vector<16xf32>, vector<16xi32> -> vector<16xf32>
    %add3A_251 = arith.addf %add3A_244, %gather3A_250 : vector<16xf32>
    %xor3A_252 = arith.constant 8 : i32
    %xor3A_253 = vector.broadcast %xor3A_252 : i32 to vector<16xi32>
    %xor3A_254 = arith.xori %iota3A, %xor3A_253 : vector<16xi32>
    %broadcast_in_dim3A_255 = vector.shape_cast %xor3A_254 : vector<16xi32> to vector<16x1xi32>
    %gather3A_256 = vector.shape_cast %broadcast_in_dim3A_255 : vector<16x1xi32> to vector<16xi32>
    %gather3A_257 = tpu.dynamic_gather %add3A_251[%gather3A_256] in [0] : vector<16xf32>, vector<16xi32> -> vector<16xf32>
    %add3A_258 = arith.addf %add3A_251, %gather3A_257 : vector<16xf32>
    %sub3A_259 = arith.subf %add3A_258, %add3A_230 : vector<16xf32>
    %eq3A_260 = arith.cmpi eq, %iota3A, %convert_element_type3A_92 : vector<16xi32>
    %select_n3A_261 = arith.select %eq3A_260, %add3A_230, %broadcast_in_dim3A_6 : vector<16xi1>, vector<16xf32>
    %eq3A_262 = arith.cmpi eq, %iota3A, %min3A_97 : vector<16xi32>
    %select_n3A_263 = arith.select %eq3A_262, %sub3A_259, %broadcast_in_dim3A_6 : vector<16xi1>, vector<16xf32>
    %add3A_264 = arith.addf %select_n3A_261, %select_n3A_263 : vector<16xf32>
    %swap3A_265 = arith.constant 1 : i32
    %swap3A_266 = arith.index_cast %swap3A_265 : i32 to index
    %swap3A_267 = arith.constant 0 : index
    %swap3A_268 = tpu.vector_load %arg9[%swap3A_266, %swap3A_267] {strides = array<i32>} : memref<3x16xf32, #tpu.memory_space<vmem>>, vector<1x16xf32>,
    %swap3A_269 = vector.shape_cast %swap3A_268 : vector<1x16xf32> to vector<16xf32>
    %swap3A_270 = vector.shape_cast %add3A_264 : vector<16xf32> to vector<1x16xf32>
    tpu.vector_store %arg9[%swap3A_266, %swap3A_267], %swap3A_270 {strides = array<i32>} : memref<3x16xf32, #tpu.memory_space<vmem>>, vector<1x16xf32>,
    %xor3A_271 = arith.constant 1 : i32
    %xor3A_272 = vector.broadcast %xor3A_271 : i32 to vector<16xi32>
    %xor3A_273 = arith.xori %iota3A, %xor3A_272 : vector<16xi32>
    %broadcast_in_dim3A_274 = vector.shape_cast %xor3A_273 : vector<16xi32> to vector<16x1xi32>
    %gather3A_275 = vector.shape_cast %broadcast_in_dim3A_274 : vector<16x1xi32> to vector<16xi32>
    %gather3A_276 = tpu.dynamic_gather %scan3A_134#2[%gather3A_275] in [0] : vector<16xf32>, vector<16xi32> -> vector<16xf32>
    %add3A_277 = arith.addf %scan3A_134#2, %gather3A_276 : vector<16xf32>
    %xor3A_278 = arith.constant 2 : i32
    %xor3A_279 = vector.broadcast %xor3A_278 : i32 to vector<16xi32>
    %xor3A_280 = arith.xori %iota3A, %xor3A_279 : vector<16xi32>
    %broadcast_in_dim3A_281 = vector.shape_cast %xor3A_280 : vector<16xi32> to vector<16x1xi32>
    %gather3A_282 = vector.shape_cast %broadcast_in_dim3A_281 : vector<16x1xi32> to vector<16xi32>
    %gather3A_283 = tpu.dynamic_gather %add3A_277[%gather3A_282] in [0] : vector<16xf32>, vector<16xi32> -> vector<16xf32>
    %add3A_284 = arith.addf %add3A_277, %gather3A_283 : vector<16xf32>
    %xor3A_285 = arith.constant 4 : i32
    %xor3A_286 = vector.broadcast %xor3A_285 : i32 to vector<16xi32>
    %xor3A_287 = arith.xori %iota3A, %xor3A_286 : vector<16xi32>
    %broadcast_in_dim3A_288 = vector.shape_cast %xor3A_287 : vector<16xi32> to vector<16x1xi32>
    %gather3A_289 = vector.shape_cast %broadcast_in_dim3A_288 : vector<16x1xi32> to vector<16xi32>
    %gather3A_290 = tpu.dynamic_gather %add3A_284[%gather3A_289] in [0] : vector<16xf32>, vector<16xi32> -> vector<16xf32>
    %add3A_291 = arith.addf %add3A_284, %gather3A_290 : vector<16xf32>
    %xor3A_292 = arith.constant 8 : i32
    %xor3A_293 = vector.broadcast %xor3A_292 : i32 to vector<16xi32>
    %xor3A_294 = arith.xori %iota3A, %xor3A_293 : vector<16xi32>
    %broadcast_in_dim3A_295 = vector.shape_cast %xor3A_294 : vector<16xi32> to vector<16x1xi32>
    %gather3A_296 = vector.shape_cast %broadcast_in_dim3A_295 : vector<16x1xi32> to vector<16xi32>
    %gather3A_297 = tpu.dynamic_gather %add3A_291[%gather3A_296] in [0] : vector<16xf32>, vector<16xi32> -> vector<16xf32>
    %add3A_298 = arith.addf %add3A_291, %gather3A_297 : vector<16xf32>
    %xor3A_299 = arith.constant 1 : i32
    %xor3A_300 = vector.broadcast %xor3A_299 : i32 to vector<16xi32>
    %xor3A_301 = arith.xori %iota3A, %xor3A_300 : vector<16xi32>
    %broadcast_in_dim3A_302 = vector.shape_cast %xor3A_301 : vector<16xi32> to vector<16x1xi32>
    %gather3A_303 = vector.shape_cast %broadcast_in_dim3A_302 : vector<16x1xi32> to vector<16xi32>
    %gather3A_304 = tpu.dynamic_gather %scan3A_134#5[%gather3A_303] in [0] : vector<16xf32>, vector<16xi32> -> vector<16xf32>
    %add3A_305 = arith.addf %scan3A_134#5, %gather3A_304 : vector<16xf32>
    %xor3A_306 = arith.constant 2 : i32
    %xor3A_307 = vector.broadcast %xor3A_306 : i32 to vector<16xi32>
    %xor3A_308 = arith.xori %iota3A, %xor3A_307 : vector<16xi32>
    %broadcast_in_dim3A_309 = vector.shape_cast %xor3A_308 : vector<16xi32> to vector<16x1xi32>
    %gather3A_310 = vector.shape_cast %broadcast_in_dim3A_309 : vector<16x1xi32> to vector<16xi32>
    %gather3A_311 = tpu.dynamic_gather %add3A_305[%gather3A_310] in [0] : vector<16xf32>, vector<16xi32> -> vector<16xf32>
    %add3A_312 = arith.addf %add3A_305, %gather3A_311 : vector<16xf32>
    %xor3A_313 = arith.constant 4 : i32
    %xor3A_314 = vector.broadcast %xor3A_313 : i32 to vector<16xi32>
    %xor3A_315 = arith.xori %iota3A, %xor3A_314 : vector<16xi32>
    %broadcast_in_dim3A_316 = vector.shape_cast %xor3A_315 : vector<16xi32> to vector<16x1xi32>
    %gather3A_317 = vector.shape_cast %broadcast_in_dim3A_316 : vector<16x1xi32> to vector<16xi32>
    %gather3A_318 = tpu.dynamic_gather %add3A_312[%gather3A_317] in [0] : vector<16xf32>, vector<16xi32> -> vector<16xf32>
    %add3A_319 = arith.addf %add3A_312, %gather3A_318 : vector<16xf32>
    %xor3A_320 = arith.constant 8 : i32
    %xor3A_321 = vector.broadcast %xor3A_320 : i32 to vector<16xi32>
    %xor3A_322 = arith.xori %iota3A, %xor3A_321 : vector<16xi32>
    %broadcast_in_dim3A_323 = vector.shape_cast %xor3A_322 : vector<16xi32> to vector<16x1xi32>
    %gather3A_324 = vector.shape_cast %broadcast_in_dim3A_323 : vector<16x1xi32> to vector<16xi32>
    %gather3A_325 = tpu.dynamic_gather %add3A_319[%gather3A_324] in [0] : vector<16xf32>, vector<16xi32> -> vector<16xf32>
    %add3A_326 = arith.addf %add3A_319, %gather3A_325 : vector<16xf32>
    %sub3A_327 = arith.subf %add3A_326, %add3A_298 : vector<16xf32>
    %eq3A_328 = arith.cmpi eq, %iota3A, %convert_element_type3A_92 : vector<16xi32>
    %select_n3A_329 = arith.select %eq3A_328, %add3A_298, %broadcast_in_dim3A_6 : vector<16xi1>, vector<16xf32>
    %eq3A_330 = arith.cmpi eq, %iota3A, %min3A_97 : vector<16xi32>
    %select_n3A_331 = arith.select %eq3A_330, %sub3A_327, %broadcast_in_dim3A_6 : vector<16xi1>, vector<16xf32>
    %add3A_332 = arith.addf %select_n3A_329, %select_n3A_331 : vector<16xf32>
    %swap3A_333 = arith.constant 2 : i32
    %swap3A_334 = arith.index_cast %swap3A_333 : i32 to index
    %swap3A_335 = arith.constant 0 : index
    %swap3A_336 = tpu.vector_load %arg9[%swap3A_334, %swap3A_335] {strides = array<i32>} : memref<3x16xf32, #tpu.memory_space<vmem>>, vector<1x16xf32>,
    %swap3A_337 = vector.shape_cast %swap3A_336 : vector<1x16xf32> to vector<16xf32>
    %swap3A_338 = vector.shape_cast %add3A_332 : vector<16xf32> to vector<1x16xf32>
    tpu.vector_store %arg9[%swap3A_334, %swap3A_335], %swap3A_338 {strides = array<i32>} : memref<3x16xf32, #tpu.memory_space<vmem>>, vector<1x16xf32>,
    "tpu.region"() ({
      %run_scoped3A = tpu.sem_alloc : memref<!tpu.dma_semaphore, #tpu.memory_space<semaphore_mem>>
      %dma_start3A_339 = arith.constant 0 : i32
      %dma_start3A_340 = arith.constant 0 : i32
      %dma_start3A_341 = tpu.memref_slice %arg5[%add3A, %dma_start3A_339, %dma_start3A_340] : memref<32x3x16xf32, #tpu.memory_space<hbm>> -> memref<1x3x16xf32, #tpu.memory_space<hbm>>
      %dma_start3A_342 = tpu.memref_squeeze %dma_start3A_341 : memref<1x3x16xf32, #tpu.memory_space<hbm>> -> memref<3x16xf32, #tpu.memory_space<hbm>>
      %dma_start3A_343 = arith.constant 0 : i32
      %dma_start3A_344 = arith.constant 0 : i32
      %dma_start3A_345 = tpu.memref_slice %arg5[%add3A, %dma_start3A_343, %dma_start3A_344] : memref<32x3x16xf32, #tpu.memory_space<hbm>> -> memref<1x3x16xf32, #tpu.memory_space<hbm>>
      %dma_start3A_346 = tpu.memref_squeeze %dma_start3A_345 : memref<1x3x16xf32, #tpu.memory_space<hbm>> -> memref<3x16xf32, #tpu.memory_space<hbm>>
      tpu.enqueue_dma source(%arg9 : memref<3x16xf32, #tpu.memory_space<vmem>>) target(%dma_start3A_346 : memref<3x16xf32, #tpu.memory_space<hbm>>) target_semaphore(%run_scoped3A : memref<!tpu.dma_semaphore, #tpu.memory_space<semaphore_mem>>)
      %dma_wait3A_347 = arith.constant 0 : i32
      %dma_wait3A_348 = arith.constant 0 : i32
      %dma_wait3A_349 = tpu.memref_slice %arg5[%add3A, %dma_wait3A_347, %dma_wait3A_348] : memref<32x3x16xf32, #tpu.memory_space<hbm>> -> memref<1x3x16xf32, #tpu.memory_space<hbm>>
      %dma_wait3A_350 = tpu.memref_squeeze %dma_wait3A_349 : memref<1x3x16xf32, #tpu.memory_space<hbm>> -> memref<3x16xf32, #tpu.memory_space<hbm>>
      %dma_wait3A_351 = arith.constant 0 : i32
      %dma_wait3A_352 = arith.constant 0 : i32
      %dma_wait3A_353 = tpu.memref_slice %arg5[%add3A, %dma_wait3A_351, %dma_wait3A_352] : memref<32x3x16xf32, #tpu.memory_space<hbm>> -> memref<1x3x16xf32, #tpu.memory_space<hbm>>
      %dma_wait3A_354 = tpu.memref_squeeze %dma_wait3A_353 : memref<1x3x16xf32, #tpu.memory_space<hbm>> -> memref<3x16xf32, #tpu.memory_space<hbm>>
      tpu.wait_dma2 semaphore(%run_scoped3A : memref<!tpu.dma_semaphore, #tpu.memory_space<semaphore_mem>>) src(%arg9 : memref<3x16xf32, #tpu.memory_space<vmem>>) dst(%dma_wait3A_354 : memref<3x16xf32, #tpu.memory_space<hbm>>)
      tpu.yield
    }) : () -> ()
    return
  }
}

module attributes {stable_mosaic.version = 14 : i64} {
  func.func @_tc_epilogue(%arg0: memref<32x3x16xf32, #tpu.memory_space<vmem>>, %arg1: memref<1x1xf32, #tpu.memory_space<vmem>>) attributes {dimension_semantics = [], scalar_prefetch = 0 : i64, scratch_operands = 0 : i64, tpu.core_type = #tpu.core_type<tc>} {
    %get3A = arith.constant 0 : index
    %get3A_0 = arith.constant 0 : index
    %get3A_1 = arith.constant 0 : index
    %get3A_2 = vector.load %arg0[%get3A, %get3A_0, %get3A_1] : memref<32x3x16xf32, #tpu.memory_space<vmem>>, vector<32x3x16xf32>
    %slice3A = vector.extract_strided_slice %get3A_2 {offsets = [0, 0, 0], sizes = [32, 1, 16], strides = [1, 1, 1]} : vector<32x3x16xf32> to vector<32x1x16xf32>
    %squeeze3A = vector.shape_cast %slice3A : vector<32x1x16xf32> to vector<32x16xf32>
    %reduce_sum3A = arith.constant dense<0.000000e+00> : vector<16xf32>
    %reduce_sum3A_3 = vector.multi_reduction <add>, %squeeze3A, %reduce_sum3A [0] : vector<32x16xf32> to vector<16xf32>
    %slice3A_4 = vector.extract_strided_slice %get3A_2 {offsets = [0, 1, 0], sizes = [32, 1, 16], strides = [1, 1, 1]} : vector<32x3x16xf32> to vector<32x1x16xf32>
    %squeeze3A_5 = vector.shape_cast %slice3A_4 : vector<32x1x16xf32> to vector<32x16xf32>
    %reduce_sum3A_6 = arith.constant dense<0.000000e+00> : vector<16xf32>
    %reduce_sum3A_7 = vector.multi_reduction <add>, %squeeze3A_5, %reduce_sum3A_6 [0] : vector<32x16xf32> to vector<16xf32>
    %slice3A_8 = vector.extract_strided_slice %get3A_2 {offsets = [0, 2, 0], sizes = [32, 1, 16], strides = [1, 1, 1]} : vector<32x3x16xf32> to vector<32x1x16xf32>
    %squeeze3A_9 = vector.shape_cast %slice3A_8 : vector<32x1x16xf32> to vector<32x16xf32>
    %reduce_sum3A_10 = arith.constant dense<0.000000e+00> : vector<16xf32>
    %reduce_sum3A_11 = vector.multi_reduction <add>, %squeeze3A_9, %reduce_sum3A_10 [0] : vector<32x16xf32> to vector<16xf32>
    %log3A = math.log %reduce_sum3A_7 : vector<16xf32>
    %div3A = arith.divf %reduce_sum3A_11, %reduce_sum3A_3 : vector<16xf32>
    %sub3A = arith.subf %log3A, %div3A : vector<16xf32>
    %abs3A = math.absf %sub3A : vector<16xf32>
    %gt3A = arith.constant 0.000000e+00 : f32
    %gt3A_12 = vector.broadcast %gt3A : f32 to vector<16xf32>
    %gt3A_13 = arith.cmpf ogt, %abs3A, %gt3A_12 : vector<16xf32>
    %convert_element_type3A = arith.extui %gt3A_13 : vector<16xi1> to vector<16xi32>
    %convert_element_type3A_14 = arith.sitofp %convert_element_type3A : vector<16xi32> to vector<16xf32>
    %reduce_sum3A_15 = vector.shape_cast %convert_element_type3A_14 : vector<16xf32> to vector<1x16xf32>
    %reduce_sum3A_16 = arith.constant dense<0.000000e+00> : vector<1xf32>
    %reduce_sum3A_17 = vector.multi_reduction <add>, %reduce_sum3A_15, %reduce_sum3A_16 [1] : vector<1x16xf32> to vector<1xf32>
    %reduce_sum3A_18 = vector.shape_cast %reduce_sum3A_17 : vector<1xf32> to vector<1x1xf32>
    %reduce_sum3A_19 = vector.extract %reduce_sum3A_18[0, 0] : f32 from vector<1x1xf32>
    %jit3A = arith.constant 0.000000e+00 : f32
    %broadcast_in_dim3A = vector.broadcast %jit3A : f32 to vector<16xf32>
    %select_n3A = arith.select %gt3A_13, %sub3A, %broadcast_in_dim3A : vector<16xi1>, vector<16xf32>
    %reduce_sum3A_20 = vector.shape_cast %select_n3A : vector<16xf32> to vector<1x16xf32>
    %reduce_sum3A_21 = arith.constant dense<0.000000e+00> : vector<1xf32>
    %reduce_sum3A_22 = vector.multi_reduction <add>, %reduce_sum3A_20, %reduce_sum3A_21 [1] : vector<1x16xf32> to vector<1xf32>
    %reduce_sum3A_23 = vector.shape_cast %reduce_sum3A_22 : vector<1xf32> to vector<1x1xf32>
    %reduce_sum3A_24 = vector.extract %reduce_sum3A_23[0, 0] : f32 from vector<1x1xf32>
    %eq3A = arith.constant 0.000000e+00 : f32
    %eq3A_25 = arith.cmpf oeq, %reduce_sum3A_19, %eq3A : f32
    %max3A = arith.constant 1.000000e+00 : f32
    %max3A_26 = arith.maximumf %reduce_sum3A_19, %max3A : f32
    %div3A_27 = arith.divf %reduce_sum3A_24, %max3A_26 : f32
    %select_n3A_28 = arith.select %eq3A_25, %reduce_sum3A_24, %div3A_27 : f32
    %broadcast_in_dim3A_29 = vector.broadcast %select_n3A_28 : f32 to vector<1x1xf32>
    %swap3A = arith.constant 0 : index
    %swap3A_30 = arith.constant 0 : index
    %swap3A_31 = vector.load %arg1[%swap3A, %swap3A_30] : memref<1x1xf32, #tpu.memory_space<vmem>>, vector<1x1xf32>
    tpu.vector_store %arg1[%swap3A, %swap3A_30], %broadcast_in_dim3A_29 {strides = array<i32>} : memref<1x1xf32, #tpu.memory_space<vmem>>, vector<1x1xf32>,
    return
  }
}

</mosaic_0001>

<sc_bundles>
// kernel: kernel.4.cloned.1.call-start
scs
__scs_entry_jumppad:
0x0: {  	(pc) =	sbr.rel $0x88, $3  }
0x1: {  	(tag) =	ssettag $0x0;
	lr =	simm.s32 $0x1  }
0x2: {  	[smem:$0x3F9E] =	sst lr;
	_ =	strace $0xD0000000  }
0x3: {  	_ = 	snop  }
0x4: {  	_ = 	snop  }
0x5: {  	_ = 	snop  }
0x6: {  	_ = 	snop  }
0x7: {  	_ = 	snop  }
__scs_overlays_trampoline_lowered:
0x8: {  	[smem:$0x3FAD] =	sst s0  }
0x9: {  	[smem:$0x3FAE] =	sst s1  }
0xa: {  	[smem:$0x3FAF] =	sst s2  }
0xb: {  	[smem:$0x3FB0] =	sst s3  }
0xc: {  	[smem:$0x3FB1] =	sst s4  }
0xd: {  	[smem:$0x3FB2] =	sst s5  }
0xe: {  	[smem:$0x3FB3] =	sst s6  }
0xf: {  	[smem:$0x3FB4] =	sst s7  }
0x10: {  	[smem:$0x3FB5] =	sst s8  }
0x11: {  	[smem:$0x3FB6] =	sst s9;
	s0 =	simm.s32 @!p0 $0x0  }
0x12: {  	s1 =	sld [smem:$0x3F9C];
	s0 =	simm.s32 @p0 $0x1  }
0x13: {  	[smem:$0x3FB7] =	sst s0;
	s0 =	simm.s32 @!p1 $0x0  }
0x14: {  	s2 =	sld [smem:$0x3F9B];
	s0 =	simm.s32 @p1 $0x1  }
0x15: {  	[smem:$0x3FB8] =	sst s0;
	s0 =	simm.s32 @!p2 $0x0  }
0x16: {  	s3 =	sld [smem:$0x3FDB];
	s0 =	simm.s32 @p2 $0x1  }
0x17: {  	s4 =	simm.s32 $0x1BF5;
	[smem:$0x3FBA] =	sst s0  }
0x18: {  	s0 =	sld [smem:$0x3F9D];
	_ =	swait.ge [sflag:s4], $0x0  }
0x19: {  	s7 =	sld [smem:$0x3F9E]  }
0x1a: {  	s8 =	sadd.s32 $0xFFFFE003, lr  }
0x1b: {  	s9 =	sadd.s32 $0xFFFFFEF7, lr;
	s5 =	simm.s32 $0xFFFFFFFF;
	p2 =	slt.u32 s8, $0xFFFFF086  }
0x1c: {  	p1 =	slt.u32 s9, $0xF7A;
	s5 =	simm.s32 @!p2 $0x0  }
0x1d: {  	s5 =	simm.s32 @p1 $0x1;
	p0 =	seq.s32 s7, s2  }
0x1e: {  	s7 =	smul.u32 @!p0 $0xF7A, s2;
	p2 =	seq.s32 @!p0 s5, $0x0  }
0x1f: {  	s9 =	smul.u32 $0xF7A, s1;
	s8 =	simm.s32 @!p0 $0x1BF5;
	p2 =	por !p2, p0  }
0x20: {  	[sflag:s8] =	ssyncset.s32 @!p0 $0xFFFFF086;
	s6 =	sadd.s32 @!p0 s3, s7;
	s7 =	simm.s32 @!p0 $0x108  }
0x21: {  	s3 =	sadd.s32 s3, s9;
	s6 =	sadd.s32 @!p0 $0x88, s6;
	s7 =	simm.s32 @p2 $0x1082  }
0x22: {  	[simem:s7], [sflag:s8] =	dma.local @!p0 [hbm:s6], $0xF7A  }
0x23: {  	s9 =	sor.u32 $0xD0000000, s2;
	s6 =	simm.s32 $0x108;
	_ =	swait.ge @!p0 [sflag:s8], $0x0  }
0x24: {  	s3 =	sadd.s32 $0x88, s3;
	s6 =	simm.s32 @!p1 $0x1082;
	[sflag:s4] =	ssyncset.s32 $0xFFFFF086  }
0x25: {  	[simem:s6], [sflag:s4] =	dma.local [hbm:s3], $0xF7A  }
0x26: {  	[smem:$0x3F9E] =	sst s1;
	(tag) =	ssettag s2;
	_ =	strace s9  }
0x27: {  	s1 =	sld [smem:$0x3FAE]  }
0x28: {  	s2 =	sld [smem:$0x3FAF]  }
0x29: {  	s4 =	sld [smem:$0x3FB1]  }
0x2a: {  	p0 =	seq.s32 s5, $0x0;
	s5 =	sld [smem:$0x3FB2]  }
0x2b: {  	s6 =	sld [smem:$0x3FB3]  }
0x2c: {  	s7 =	sld [smem:$0x3FB4]  }
0x2d: {  	s3 =	simm.s32 $0x108;
	s8 =	sld [smem:$0x3FB5]  }
0x2e: {  	s3 =	simm.s32 @!p0 $0x1082;
	s9 =	sld [smem:$0x3FB6]  }
0x2f: {  	lr =	sadd.s32 s0, s3;
	s0 =	sld [smem:$0x3FAD]  }
0x30: {  	s3 =	sld [smem:$0x3FB0]  }
0x31: {  	[smem:$0x3FB9] =	sst s10  }
0x32: {  	s10 =	sld [smem:$0x3FB7];
	_ =	sdelay $0x3  }
0x33: {  	p0 =	seq.s32 s10, $0x1;
	s10 =	sld [smem:$0x3FB9];
	_ =	sdelay $0x3  }
0x34: {  	[smem:$0x3FB9] =	sst s10  }
0x35: {  	s10 =	sld [smem:$0x3FB8];
	_ =	sdelay $0x3  }
0x36: {  	p1 =	seq.s32 s10, $0x1;
	s10 =	sld [smem:$0x3FB9];
	_ =	sdelay $0x3  }
0x37: {  	[smem:$0x3FB9] =	sst s10  }
0x38: {  	s10 =	sld [smem:$0x3FBA]  }
0x39: {  	_ = 	snop;
	(pc) =	sbr.ind lr, $3  }
0x3a: {  	_ = 	snop  }
0x3b: {  	_ = 	snop  }
0x3c: {  	p2 =	seq.s32 s10, $0x1;
	s10 =	sld [smem:$0x3FB9]  }
0x3d: {  	_ =	shalt  }
0x3e: {  	_ =	shalt  }
0x3f: {  	_ =	shalt  }
0x40: {  	_ =	shalt  }
0x41: {  	_ =	shalt  }
0x42: {  	_ =	shalt  }
0x43: {  	_ =	shalt  }
0x44: {  	_ =	shalt  }
0x45: {  	_ =	shalt  }
0x46: {  	_ =	shalt  }
0x47: {  	_ =	shalt  }
0x48: {  	_ =	shalt  }
0x49: {  	_ =	shalt  }
0x4a: {  	_ =	shalt  }
0x4b: {  	_ =	shalt  }
0x4c: {  	_ =	shalt  }
0x4d: {  	_ =	shalt  }
0x4e: {  	_ =	shalt  }
0x4f: {  	_ =	shalt  }
0x50: {  	_ =	shalt  }
0x51: {  	_ =	shalt  }
0x52: {  	_ =	shalt  }
0x53: {  	_ =	shalt  }
0x54: {  	_ =	shalt  }
0x55: {  	_ =	shalt  }
0x56: {  	_ =	shalt  }
0x57: {  	_ =	shalt  }
0x58: {  	_ =	shalt  }
0x59: {  	_ =	shalt  }
0x5a: {  	_ =	shalt  }
0x5b: {  	_ =	shalt  }
0x5c: {  	_ =	shalt  }
0x5d: {  	_ =	shalt  }
0x5e: {  	_ =	shalt  }
0x5f: {  	_ =	shalt  }
0x60: {  	_ =	shalt  }
0x61: {  	_ =	shalt  }
0x62: {  	_ =	shalt  }
0x63: {  	_ =	shalt  }
0x64: {  	_ =	shalt  }
0x65: {  	_ =	shalt  }
0x66: {  	_ =	shalt  }
0x67: {  	_ =	shalt  }
0x68: {  	_ =	shalt  }
0x69: {  	_ =	shalt  }
0x6a: {  	_ =	shalt  }
0x6b: {  	_ =	shalt  }
0x6c: {  	_ =	shalt  }
0x6d: {  	_ =	shalt  }
0x6e: {  	_ =	shalt  }
0x6f: {  	_ =	shalt  }
0x70: {  	_ =	shalt  }
0x71: {  	_ =	shalt  }
0x72: {  	_ =	shalt  }
0x73: {  	_ =	shalt  }
0x74: {  	_ =	shalt  }
0x75: {  	_ =	shalt  }
0x76: {  	_ =	shalt  }
0x77: {  	_ =	shalt  }
0x78: {  	_ =	shalt  }
0x79: {  	_ =	shalt  }
0x7a: {  	_ =	shalt  }
0x7b: {  	_ =	shalt  }
0x7c: {  	_ =	shalt  }
0x7d: {  	_ =	shalt  }
0x7e: {  	_ =	shalt  }
0x7f: {  	_ =	shalt  }
0x80: {  	_ =	shalt  }
0x81: {  	_ =	shalt  }
0x82: {  	_ =	shalt  }
0x83: {  	_ =	shalt  }
0x84: {  	_ =	shalt  }
0x85: {  	_ =	shalt  }
0x86: {  	_ =	shalt  }
0x87: {  	_ =	shalt  }
.Lfunc_end0:
.L_simem_size_0:
called_computation_lowered:
.L_overlay_start_0:
0x88: {  	s2 =	sld [smem:$0x3FD9]  }
0x89: {  	s3 =	sld [smem:$0x3FFE];
	_ =	sdelay $0x1  }
0x8a: {  	s1 =	srdreg.scid  }
0x8b: {  	s0 =	sand.u32 $0x1, s1  }
0x8c: {  	s17 =	sshll.u32 s0, $0xA;
	s2 =	sadd.s32 s3, s2  }
0x8d: {  	s2 =	sadd.s32 s2, s17  }
0x8e: {  	[smem:$0x3FC5] =	sst s2  }
0x8f: {  	_ = 	snop  }
0x90: {  	s2 =	sld [smem:$0x3FC9]  }
0x91: {  	s18 =	sld [smem:$0x3FC8]  }
0x92: {  	s4 =	sld [smem:$0x3FC7];
	(tm) =	ssettm $0x1  }
0x93: {  	s5 =	sld [smem:$0x3FFB];
	_ =	sdelay $0x3  }
0x94: {  	_ =	strace s5  }
0x95: {  	s5 =	sld [smem:$0x3FFC];
	_ =	sdelay $0x3  }
0x96: {  	_ =	strace s5  }
0x97: {  	s5 =	sld [smem:$0x3FFD];
	_ =	sdelay $0x3  }
0x98: {  	_ =	strace s5  }
0x99: {  	_ =	strace $0x8FFFFFFF  }
0x9a: {  	s19 =	sld [smem:$0x3FDB];
	_ =	sdelay $0x1  }
0x9b: {  	s6 =	simm.s32 $_scs_section_size  }
0x9c: {  	s7 =	simm.s32 $_size__tile_overlayer_lowered;
	s8 =	simm.s32 $_tile_overlayer_lowered  }
0x9d: {  	s22 =	simm.s32 $0x1BFF;
	s21 =	sshll.u32 s8, $0x1;
	s5 =	sadd.s32 s6, s19  }
0x9e: {  	s9 =	simm.s32 $0x0;
	s20 =	sshll.u32 s7, $0x1;
	s7 =	sadd.s32 s21, s5  }
0x9f: {  	[timem:s9], [sflag:s22] =	dma.local [hbm:s7], s20  }
0xa0: {  	_ =	swait.ge [sflag:s22], s20  }
0xa1: {  	s6 =	ssub.s32 $0x0, s20;
	[sflag:s22] =	ssyncset.done $0x0  }
0xa2: {  	[sflag:s22] =	ssyncadd.s32 s6;
	_ =	sdelay $0x1  }
0xa3: {  	s23 =	simm.s32 $0x1B8B  }
0xa4: {  	_ =	swait.ge [sflag:s23], $0x1  }
0xa5: {  	[sflag:s23] =	ssyncset.done $0x0  }
0xa6: {  	s25 =	simm.s32 $0x1B8E;
	s24 =	sld [smem:$0x3FFE];
	[sflag:s23] =	ssyncadd.s32 $0xFFFFFFFF  }
0xa7: {  	s26 =	simm.s32 $execute0_lowered;
	[smem:$0x3FD2] =	sst s25  }
0xa8: {  	s7 =	sshll.u32 s26, $0x1;
	_ =	strace $0x80000046;
	[dreg:$0x1] =	wrdreg $0xFFFFFFFF  }
0xa9: {  	s28 =	simm.s32 $_size_execute0_lowered;
	s5 =	sadd.s32 s5, s7;
	[dreg:$0x0] =	wrdreg $0x0  }
0xaa: {  	s7 =	sshll.u32 s28, $0x1;
	[dreg:$0x2] =	wrdreg s5  }
0xab: {  	[dreg:$0x3] =	wrdreg s7  }
0xac: {  	[dreg:$0x4] =	wrdreg $0xC0  }
0xad: {  	_ =	task [dreg:s9], $0x5FFFF  }
0xae: {  	[dreg:$0x1] =	wrdreg $0xFFFFFFFF  }
0xaf: {  	[dreg:$0x0] =	wrdreg $0x60  }
0xb0: {  	[dreg:$0x2] =	wrdreg s2  }
0xb1: {  	[dreg:$0x3] =	wrdreg s18  }
0xb2: {  	[dreg:$0x4] =	wrdreg s4  }
0xb3: {  	[dreg:$0x5] =	wrdreg s24  }
0xb4: {  	[dreg:$0x6] =	wrdreg $0x9  }
0xb5: {  	_ =	task.clear_ibuf [dreg:s9], $0x7FFFF;
	_ =	strace $0x90000046  }
0xb6: {  	s29 =	simm.s32 $0x9;
	_ =	strace $0x80000048  }
0xb7: {  	_ =	swait.ge [sflag:s29], $0x1  }
0xb8: {  	[sflag:s29] =	ssyncadd.s32 $0xFFFFFFFF  }
0xb9: {  	_ =	strace $0x90000048  }
0xba: {  	_ =	sfence  }
0xbb: {  	s30 =	sld [smem:$0x0];
	_ =	sdelay $0x2  }
0xbc: {  	s31 =	sshll.u32 s1, $0xD;
	s1 =	sshrl.u32 s1, $0x2  }
0xbd: {  	s3 =	sand.u32 $0x4000, s31;
	s1 =	sadd.s32 s1, s30  }
0xbe: {  	s0 =	sor.u32 s3, s0;
	s1 =	sshll.u32 s1, $0x11  }
0xbf: {  	s0 =	sor.u32 s1, s0  }
0xc0: {  	s0 =	sadd.s32 $0x8F2B, s0  }
0xc1: {  	[sflag:s0] =	ssyncadd.remote.s32 $0x1  }
0xc2: {  	_ =	sfence.sel $0xFFFF  }
0xc3: {  	[dreg:$0x0] =	wrdreg $0xFFFFFFFF;
	(pc) =	sbr.abs _section_cstart, $3  }
0xc4: {  	[dreg:$0x1] =	wrdreg $0xFFFFFFFF  }
0xc5: {  	_ =	task.clear_ibuf [dreg:s9], $0x2FFFF;
	_ =	strace $0x9FFFFFFF  }
0xc6: {  	(tm) =	ssettm $0x7FFFFFFF  }
0xc7: {  	_ =	shalt  }
tec
execute0_lowered:
.L_overlay_start_1:
0x0: {  	(tag) =	ssettag $0x1  }
0x1: {  	v0 =	vimm.s32 $0xEDCBA987  }
0x2: {  	v1 =	vimm.s32 $0x65432100;
	v2 =	vimm.s32 $0x54321000;
	v3 =	vimm.s32 $0xDCBA9876  }
0x3: {  	v4 =	vimm.s32 $0xE40000;
	v5 =	vimm.s32 $0xBA987654;
	v0 =	vunpack.c.l.s4.s8 v0  }
0x4: {  	v6 =	vimm.s32 $0x7060504;
	v7 =	vimm.s32 $0xEFCDAB89;
	v1 =	vunpack.c.l.s4.s8 v1  }
0x5: {  	v8 =	vimm.s32 $0x67452301;
	v4 =	vunpack.c.l.s2.s4 v4;
	v0 =	vunpack.c.0.s8.s32 v0  }
0x6: {  	vm0 =	vcmask $0x3F30;
	v3 =	vunpack.c.l.s4.s8 v3;
	v1 =	vunpack.c.0.s8.s32 v1  }
0x7: {  	v6 =	vunpack.c.0.s8.s32 v6;
	v4 =	vunpack.c.l.s4.s8 v4;
	v0 =	vand.u32 $0xF, v0  }
0x8: {  	v0 =	vcombine.low v1, v0;
	v1 =	vunpack.c.l.s4.s8 v2;
	v2 =	vunpack.c.l.s4.s8 v5  }
0x9: {  	v7 =	vunpack.c.l.s4.s8 v7;
	v3 =	vunpack.c.0.s8.s32 v3;
	v5 =	vimm.s32 $0x32100000  }
0xa: {  	v4 =	vunpack.c.0.s8.s32 v4;
	v5 =	vunpack.c.l.s4.s8 v5;
	v2 =	vunpack.c.0.s8.s32 v2  }
0xb: {  	v8 =	vunpack.c.l.s4.s8 v8;
	v3 =	vand.u32 $0xF, v3;
	v1 =	vunpack.c.0.s8.s32 v1  }
0xc: {  	s4 =	rddreg [dreg:$0x0];
	v4 =	vand.u32 $0x3, v4;
	v5 =	vunpack.c.0.s8.s32 v5;
	v2 =	vand.u32 $0xF, v2  }
0xd: {  	s5 =	rddreg [dreg:$0x1];
	v1 =	vcombine.low v1, v3;
	v3 =	vsel vm0, v6, v4;
	v4 =	vunpack.c.0.s8.s32 v7  }
0xe: {  	s2 =	srdreg.scid;
	s1 =	rddreg [dreg:$0x2];
	v6 =	vimm.s32 $0xDCFE98BA;
	v7 =	vimm.s32 $0x54761032;
	v2 =	vcombine.low v5, v2  }
0xf: {  	s0 =	stileid.u32;
	s7 =	rddreg [dreg:$0x3];
	v5 =	vunpack.c.0.s8.s32 v8;
	v6 =	vunpack.c.l.s4.s8 v6;
	v8 =	vimm.s32 $0xBA98FEDC  }
0x10: {  	v9 =	vimm.s32 $0x32107654;
	s3 =	simm.s32 $0x0;
	s12 =	simm.s32 $0x2;
	s13 =	simm.s32 $0x3;
	v7 =	vunpack.c.l.s4.s8 v7;
	v8 =	vunpack.c.l.s4.s8 v8  }
0x11: {  	s14 =	simm.s32 $0x480;
	s15 =	simm.s32 $0x4;
	s6 =	sand.u32 $0x1, s2;
	v10 =	vcombine.low v5, v4;
	v4 =	vunpack.c.0.s8.s32 v6;
	v5 =	vunpack.c.l.s4.s8 v9  }
0x12: {  	s16 =	simm.s32 $0x0;
	s9 =	sshll.u32 s0, $0x9;
	s8 =	sshll.u32 s6, $0xD;
	v6 =	vunpack.c.0.s8.s32 v7;
	v7 =	vunpack.c.0.s8.s32 v8;
	v8 =	vimm.s32 $0xFEDCBA98  }
0x13: {  	s2 =	rddreg [dreg:$0x4];
	s6 =	ssub.s32 $0x2, s6;
	s8 =	sor.u32 s9, s8;
	v9 =	vimm.s32 $0x76543210;
	v5 =	vunpack.c.0.s8.s32 v5;
	v8 =	vunpack.c.l.s4.s8 v8  }
0x14: {  	vm1 =	vmmov $0xf;
	[smem:$0x7FF] =	sst s3;
	s11 =	sshrl.u32 s6, $0x1;
	s9 =	scvt.s32.f32 s8;
	v11 =	vcombine.low v6, v4;
	v6 =	vunpack.c.l.s4.s8 v9  }
0x15: {  	vm2 =	vmmov $0xff;
	_ =	strace $0x80000047;
	s10 =	sshrl.u32 s8, $0x3;
	s11 =	ssub.s32 s6, s11;
	v9 =	vcombine.low v5, v7;
	v7 =	vunpack.c.0.s8.s32 v8  }
0x16: {  	s8 =	sor.u32 $0x30, s8;
	s7 =	sadd.s32 s10, s7;
	s4 =	sadd.s32 s4, s10;
	vm0 =	vmmov $0x3;
	v4 =	vmov s9;
	v12 =	vunpack.c.0.s8.s32 v6  }
0x17: {  	s5 =	sadd.s32 s5, s10;
	s10 =	simm.s32 $0x200;
	s6 =	sadd.s32 $0x600, s7;
	v5 =	vlaneseq.u32;
	v6 =	vand.u32 $0xF, v10;
	v10 =	vand.u32 $0xF, v7  }
0x18: {  	s7 =	smax.u32 s11, $0x1;
	s11 =	simm.s32 $0x1;
	s9 =	simm.s32 $0x400;
	v7 =	vand.u32 $0xF, v11;
	v8 =	vand.u32 $0xF, v9;
	v9 =	vcombine.low v10, v12  }
.LBB2_1:
0x19: {  	[tilespmem:s9], [sflag:$0x1] =	stream.linear.gather [hbm4b:s1+s3], $0x80, $0x38;
	[tilespmem:$0x680] =	vst v63  }
0x1a: {  	_ = 	snop  }
0x1b: {  	[tilespmem:s3], [sflag:$0x2] =	stream.linear.gather [hbm4b:s4+s3], $0x200, $0x38;
	[tilespmem:$0x680] =	vst v63  }
0x1c: {  	_ = 	snop  }
0x1d: {  	[tilespmem:s10], [sflag:$0x3] =	stream.linear.gather [hbm4b:s5+s3], $0x200, $0x38;
	[tilespmem:$0x680] =	vst v63  }
0x1e: {  	_ =	swait.ge [sflag:s11], $0x80  }
0x1f: {  	[sflag:s11] =	ssyncset.done $0x0  }
0x20: {  	[sflag:s11] =	ssyncadd.s32 $0xFFFFFF80  }
0x21: {  	v10 =	vld [tilespmem:$0x400];
	_ =	sdelay $0x4  }
0x22: {  	v10 =	vcvt.s32.f32 v10;
	_ =	sdelay $0x1  }
0x23: {  	v11 =	vperm.xlane v10, v0  }
0x24: {  	vm3 =	veq.s32 v5, $0x0  }
0x25: {  	v11 =	vsel vm3, $0x0, v11  }
0x26: {  	v10 =	vadd.f32 v10, v11;
	_ =	sdelay $0x1  }
0x27: {  	v11 =	vperm.xlane v10, v1;
	_ =	sdelay $0x1  }
0x28: {  	v11 =	vsel vm0, $0x0, v11  }
0x29: {  	v10 =	vadd.f32 v11, v10;
	_ =	sdelay $0x1  }
0x2a: {  	v11 =	vperm.xlane v10, v2;
	_ =	sdelay $0x1  }
0x2b: {  	v11 =	vsel vm1, $0x0, v11  }
0x2c: {  	v10 =	vadd.f32 v11, v10;
	_ =	sdelay $0x1  }
0x2d: {  	v11 =	vperm.xlane v10, v3;
	_ =	sdelay $0x1  }
0x2e: {  	v11 =	vsel vm2, $0x0, v11  }
0x2f: {  	v11 =	vadd.f32 v11, v10;
	_ =	sdelay $0x1  }
0x30: {  	v16 =	vimm.f32 $0.0e+00;
	vm3 =	vle.f32 v11, v4  }
0x31: {  	v10 =	vsel vm3, $0x3F800000, v16  }
0x32: {  	v12 =	vperm.xlane v10, v6;
	_ =	sdelay $0x1  }
0x33: {  	v10 =	vadd.f32 v10, v12;
	_ =	sdelay $0x1  }
0x34: {  	v12 =	vperm.xlane v10, v7;
	_ =	sdelay $0x1  }
0x35: {  	v10 =	vadd.f32 v10, v12;
	_ =	sdelay $0x1  }
0x36: {  	v12 =	vperm.xlane v10, v8;
	_ =	sdelay $0x1  }
0x37: {  	v10 =	vadd.f32 v10, v12;
	_ =	sdelay $0x1  }
0x38: {  	v12 =	vperm.xlane v10, v9;
	_ =	sdelay $0x1  }
0x39: {  	v10 =	vadd.f32 v10, v12;
	_ =	sdelay $0x1  }
0x3a: {  	v10 =	vtrunc.f32 v10  }
0x3b: {  	v10 =	vcvt.f32.s32 v10;
	_ =	sdelay $0x1  }
0x3c: {  	vm3 =	veq.s32 v10, v5  }
0x3d: {  	v11 =	vnsel vm3, $0x0, v11  }
0x3e: {  	_ =	swait.ge [sflag:s12], $0x200;
	v12 =	vperm.xlane v11, v6  }
0x3f: {  	[sflag:s12] =	ssyncset.done $0x0  }
0x40: {  	[sflag:s12] =	ssyncadd.s32 $0xFFFFFE00;
	v11 =	vadd.f32 v11, v12  }
0x41: {  	_ =	swait.ge [sflag:s13], $0x200  }
0x42: {  	[sflag:s13] =	ssyncset.done $0x0;
	v12 =	vperm.xlane v11, v7  }
0x43: {  	s17 =	simm.s32 $0x20;
	[sflag:s13] =	ssyncadd.s32 $0xFFFFFE00  }
0x44: {  	v20 =	vld [tilespmem:s17+$0xFFFFFFF0];
	v11 =	vadd.f32 v11, v12  }
0x45: {  	v21 =	vld [tilespmem:s17+$0xFFFFFFE0]  }
0x46: {  	v12 =	vperm.xlane v11, v8;
	_ =	sdelay $0x1  }
0x47: {  	s18 =	simm.s32 $0x220;
	v11 =	vadd.f32 v11, v12  }
0x48: {  	v15 =	vmul.f32 $1.442695020e+00, v20;
	v12 =	vld [tilespmem:s18+$0xFFFFFFE0]  }
0x49: {  	v14 =	vld [tilespmem:s18+$0xFFFFFFF0];
	v17 =	vmul.f32 $1.442695020e+00, v21;
	v13 =	vperm.xlane v11, v9  }
0x4a: {  	v26 =	vld [tilespmem:s17+$0x0];
	(erf) = vpow2.f32 v15  }
0x4b: {  	(erf) = vpow2.f32 v17;
	v11 =	vadd.f32 v11, v13;
	v13 =	vld [tilespmem:s18+$0x0];
	_ =	sdelay $0x1  }
0x4c: {  	v12 =	vmul.f32 $1.442695020e+00, v12  }
0x4d: {  	v28 =	vld [tilespmem:s17+$0x10];
	v17 =	vmul.f32 $1.442695020e+00, v14  }
0x4e: {  	s17 =	simm.s32 $0x260;
	v18 =	vmul.f32 $1.442695020e+00, v26;
	v15 =	vld [tilespmem:s18+$0x10];
	(erf) = vpow2.f32 v12  }
0x4f: {  	v24 =	vld [tilespmem:s17+$0xFFFFFFE0];
	(erf) = vpow2.f32 v17;
	v19 =	vmul.f32 $1.442695020e+00, v13  }
0x50: {  	v11 =	vtrunc.f32 v11;
	(erf) = vpow2.f32 v18  }
0x51: {  	s19 =	sadd.s32 $0xFFFFFFD0, s8;
	v22 =	vld [tilespmem:s17+$0x0];
	v14 =	vcvt.f32.s32 v11;
	(erf) = vpow2.f32 v19  }
0x52: {  	s30 =	simm.s32 $0x60;
	v25 =	vor.u32 s19, v5;
	v23 =	vld [tilespmem:s17+$0xFFFFFFF0];
	v29 =	vpop (erf);
	v17 =	vmul.f32 $1.442695020e+00, v28  }
0x53: {  	v30 =	vpop (erf);
	v13 =	vld [tilespmem:s30+$0xFFFFFFF0];
	v18 =	vmul.f32 $1.442695020e+00, v15;
	vm7 =	vlt.s32 v25, v14  }
0x54: {  	v34 =	vmul.f32 $1.442695020e+00, v24;
	v15 =	vld [tilespmem:s30+$0xFFFFFFE0];
	v33 =	vnsel vm7, $0x0, v30;
	(erf) = vpow2.f32 v17  }
0x55: {  	s20 =	sadd.s32 $0xFFFFFFE0, s8;
	v12 =	vld [tilespmem:s30+$0x0];
	v30 =	vadd.f32 v30, v16;
	v19 =	vor.u32 s8, v5;
	(erf) = vpow2.f32 v18  }
0x56: {  	s31 =	sadd.s32 $0xFFFFFFF0, s8;
	v56 =	vadd.f32 v33, v16;
	vm4 =	vlt.s32 v19, v14;
	v19 =	vor.u32 s20, v5  }
0x57: {  	v17 =	vor.u32 s31, v5;
	v30 =	vadd.f32 v29, v30;
	vm6 =	vlt.s32 v19, v14;
	v31 =	vpop (erf)  }
0x58: {  	v19 =	vmul.f32 $1.442695020e+00, v22;
	v27 =	vmul.f32 $1.442695020e+00, v13;
	v32 =	vnsel vm7, $0x0, v31;
	v57 =	vpop (erf)  }
0x59: {  	v22 =	vmul.f32 $1.442695020e+00, v23;
	v25 =	vmul.f32 $1.442695020e+00, v15;
	v23 =	vadd.f32 v32, v16;
	v24 =	vpop (erf)  }
0x5a: {  	vm5 =	vlt.s32 v17, v14;
	v18 =	vmul.f32 $1.442695020e+00, v12;
	(erf) = vpow2.f32 v27;
	v58 =	vpop (erf)  }
0x5b: {  	(erf) = vpow2.f32 v25;
	v35 =	vnsel vm6, $0x0, v57;
	v25 =	vnsel vm5, $0x0, v58  }
0x5c: {  	v36 =	vnsel vm6, $0x0, v29;
	v37 =	vmul.f32 v31, v21;
	v27 =	vadd.f32 v35, v23  }
0x5d: {  	v11 =	vld [tilespmem:s30+$0x10];
	v31 =	vadd.f32 v31, v16;
	v32 =	vadd.f32 v36, v56;
	v60 =	vmul.f32 v57, v20;
	v23 =	vpop (erf)  }
0x5e: {  	v59 =	vnsel vm5, $0x0, v24;
	v38 =	vnsel vm7, $0x0, v37;
	v21 =	vadd.f32 v25, v27;
	v25 =	vpop (erf)  }
0x5f: {  	v62 =	vadd.f32 v38, v16;
	v27 =	vadd.f32 v59, v32;
	v20 =	vnsel vm4, $0x0, v25  }
0x60: {  	v16 =	vadd.f32 v37, v16;
	v61 =	vnsel vm4, $0x0, v23;
	v20 =	vadd.f32 v20, v21  }
0x61: {  	v21 =	vadd.f32 v61, v27;
	v27 =	vmul.f32 v58, v26;
	v26 =	vnsel vm6, $0x0, v60  }
0x62: {  	v17 =	vmul.f32 $1.442695020e+00, v11;
	v31 =	vadd.f32 v57, v31;
	v36 =	vadd.f32 v26, v62  }
0x63: {  	v29 =	vadd.f32 v60, v16;
	v26 =	vmul.f32 v25, v28;
	v28 =	vld [tilespmem:s17+$0x10];
	v63 =	vnsel vm5, $0x0, v27  }
0x64: {  	s19 =	simm.s32 $0x4;
	s18 =	smov.u32 s8;
	s20 =	simm.s32 $0xA0;
	(erf) = vpow2.f32 v34;
	v31 =	vadd.f32 v58, v31;
	v16 =	vpop (erf);
	v32 =	vadd.f32 v63, v36  }
.LBB2_2:
0x65: {  	v33 =	vld [tilespmem:s20+$0x10];
	v34 =	vpop (erf);
	v24 =	vadd.f32 v24, v30;
	v27 =	vadd.f32 v27, v29;
	v29 =	vnsel vm4, $0x0, v26  }
0x66: {  	v30 =	vld [tilespmem:s20+$0x0];
	(erf) = vpow2.f32 v22;
	v29 =	vadd.f32 v29, v32;
	v31 =	vadd.f32 v25, v31  }
0x67: {  	s17 =	sadd.s32 $0x40, s17;
	v32 =	vld [tilespmem:s20+$0xFFFFFFF0];
	(erf) = vpow2.f32 v18;
	v35 =	vadd.f32 v23, v24;
	v26 =	vadd.f32 v26, v27  }
0x68: {  	s18 =	sadd.s32 $0x40, s18;
	v22 =	vld [tilespmem:s17+$0x0];
	v18 =	vmul.f32 $1.442695020e+00, v28;
	(erf) = vpow2.f32 v19  }
0x69: {  	s21 =	sadd.s32 $0xFFFFFFF0, s18;
	v19 =	vor.u32 s18, v5;
	v27 =	vld [tilespmem:s20+$0xFFFFFFE0];
	(erf) = vpow2.f32 v17  }
0x6a: {  	s22 =	sadd.s32 $0xFFFFFFD0, s18;
	s23 =	sadd.s32 $0xFFFFFFE0, s18;
	v17 =	vor.u32 s21, v5;
	vm4 =	vlt.s32 v19, v14;
	v23 =	vld [tilespmem:s17+$0xFFFFFFF0];
	(erf) = vpow2.f32 v18  }
0x6b: {  	v25 =	vor.u32 s22, v5;
	v19 =	vor.u32 s23, v5;
	vm5 =	vlt.s32 v17, v14;
	v24 =	vld [tilespmem:s17+$0xFFFFFFE0]  }
0x6c: {  	v17 =	vmul.f32 $1.442695020e+00, v33;
	vm6 =	vlt.s32 v19, v14;
	v18 =	vmul.f32 $1.442695020e+00, v30  }
0x6d: {  	vm7 =	vlt.s32 v25, v14;
	v28 =	vmul.f32 $1.442695020e+00, v32;
	v19 =	vmul.f32 $1.442695020e+00, v22;
	v36 =	vpop (erf)  }
0x6e: {  	v38 =	vnsel vm7, $0x0, v34;
	v25 =	vmul.f32 $1.442695020e+00, v27;
	v39 =	vnsel vm7, $0x0, v36  }
0x6f: {  	v21 =	vadd.f32 v38, v21;
	v22 =	vmul.f32 $1.442695020e+00, v23;
	v20 =	vadd.f32 v39, v20;
	v37 =	vpop (erf)  }
0x70: {  	v40 =	vnsel vm6, $0x0, v16;
	v38 =	vmul.f32 $1.442695020e+00, v24;
	v41 =	vnsel vm6, $0x0, v37;
	v24 =	vpop (erf)  }
0x71: {  	v21 =	vadd.f32 v40, v21;
	(erf) = vpow2.f32 v28;
	v20 =	vadd.f32 v41, v20;
	v39 =	vpop (erf)  }
0x72: {  	v28 =	vnsel vm5, $0x0, v24;
	(erf) = vpow2.f32 v25;
	v41 =	vnsel vm5, $0x0, v39;
	v23 =	vpop (erf)  }
0x73: {  	v40 =	vmul.f32 v36, v15;
	v21 =	vadd.f32 v28, v21;
	v20 =	vadd.f32 v41, v20;
	v25 =	vpop (erf)  }
0x74: {  	s19 =	sadd.s32 $0x4, s19;
	v15 =	vmovc v27;
	v41 =	vmul.f32 v37, v13;
	v42 =	vnsel vm4, $0x0, v23;
	v13 =	vmovc v32;
	v28 =	vnsel vm4, $0x0, v25  }
0x75: {  	p0 =	slt.u32 s19, $0x1C;
	v27 =	vnsel vm7, $0x0, v40;
	v21 =	vadd.f32 v42, v21;
	v20 =	vadd.f32 v28, v20  }
.Ltmp0:
0x76: {  	v28 =	vadd.f32 v27, v29;
	v29 =	vadd.f32 v36, v31;
	v27 =	vmul.f32 v39, v12;
	v12 =	vmovc v30;
	(pc) =	sbr.rel @p0 .LBB2_2-.Ltmp0, $4  }
0x77: {  	v30 =	vadd.f32 v34, v35;
	v31 =	vadd.f32 v40, v26;
	v26 =	vnsel vm6, $0x0, v41  }
0x78: {  	v32 =	vadd.f32 v26, v28;
	v34 =	vadd.f32 v37, v29;
	v26 =	vmul.f32 v25, v11;
	v11 =	vmovc v33  }
0x79: {  	v30 =	vadd.f32 v16, v30;
	v29 =	vadd.f32 v41, v31;
	v31 =	vnsel vm5, $0x0, v27;
	v28 =	vld [tilespmem:s17+$0x10]  }
0x7a: {  	s20 =	sadd.s32 $0x40, s20;
	v32 =	vadd.f32 v31, v32;
	v31 =	vadd.f32 v39, v34;
	(erf) = vpow2.f32 v38;
	v16 =	vpop (erf)  }
0x7b: {  	(erf) = vpow2.f32 v22  }
0x7c: {  	v44 =	vadd.f32 v24, v30;
	v45 =	vnsel vm4, $0x0, v26;
	v46 =	vadd.f32 v27, v29  }
0x7d: {  	s17 =	sadd.s32 $0x40, s18;
	v10 =	vadd.s32 $0x1, v10;
	(erf) = vpow2.f32 v18;
	v22 =	vadd.f32 v45, v32  }
0x7e: {  	v47 =	vadd.f32 v25, v31;
	s18 =	sadd.s32 $0xFFFFFFD0, s17;
	v49 =	vor.u32 s17, v5;
	vm15 =	vlt.s32 v10, $0xF  }
0x7f: {  	s19 =	sadd.s32 $0xFFFFFFF0, s17;
	s17 =	sadd.s32 $0xFFFFFFE0, s17;
	(erf) = vpow2.f32 v19;
	v19 =	vadd.f32 v23, v44;
	v50 =	vor.u32 s18, v5  }
0x80: {  	v51 =	vor.u32 s19, v5;
	vm14 =	vlt.s32 v49, v14;
	v53 =	vor.u32 s17, v5  }
0x81: {  	v48 =	vpop (erf);
	v10 =	vnsel vm15, $0xF, v10;
	v43 =	vmul.f32 $1.442695020e+00, v28;
	vm5 =	vlt.s32 v50, v14  }
0x82: {  	(erf) = vpow2.f32 v17;
	v17 =	vadd.f32 v26, v46;
	v55 =	vnsel vm5, $0x0, v48  }
0x83: {  	vm6 =	vlt.s32 v53, v14;
	v19 =	vadd.f32 v48, v19;
	v21 =	vadd.f32 v55, v21  }
0x84: {  	vm7 =	vlt.s32 v51, v14;
	v59 =	vnsel vm6, $0x0, v16;
	(erf) = vpow2.f32 v43;
	v52 =	vpop (erf)  }
0x85: {  	v38 =	vadd.f32 v16, v19;
	v61 =	vadd.f32 v59, v21;
	v54 =	vnsel vm5, $0x0, v52;
	v56 =	vpop (erf)  }
0x86: {  	v15 =	vmul.f32 v52, v15;
	v18 =	vadd.f32 v52, v47;
	v20 =	vadd.f32 v54, v20;
	v57 =	vpop (erf)  }
0x87: {  	v58 =	vnsel vm6, $0x0, v56;
	v13 =	vmul.f32 v56, v13;
	v63 =	vnsel vm7, $0x0, v57  }
0x88: {  	v60 =	vpop (erf);
	v18 =	vadd.f32 v56, v18;
	v36 =	vnsel vm5, $0x0, v15;
	v15 =	vadd.f32 v15, v17  }
0x89: {  	v16 =	vadd.f32 v57, v38;
	v14 =	vadd.f32 v58, v20;
	v62 =	vnsel vm7, $0x0, v60  }
0x8a: {  	v20 =	vadd.f32 v63, v61;
	v22 =	vadd.f32 v36, v22;
	v12 =	vmul.f32 v60, v12  }
0x8b: {  	v32 =	vpop (erf);
	v37 =	vnsel vm6, $0x0, v13;
	v18 =	vadd.f32 v60, v18;
	v13 =	vadd.f32 v13, v15  }
0x8c: {  	v35 =	vnsel vm14, $0x0, v32;
	v16 =	vadd.f32 v32, v16;
	v14 =	vadd.f32 v62, v14  }
0x8d: {  	v33 =	vpop (erf);
	v20 =	vadd.f32 v35, v20;
	v17 =	vadd.f32 v37, v22;
	v39 =	vnsel vm7, $0x0, v12  }
0x8e: {  	v34 =	vnsel vm14, $0x0, v33;
	v18 =	vadd.f32 v33, v18;
	v11 =	vmul.f32 v33, v11  }
0x8f: {  	v12 =	vadd.f32 v12, v13;
	v48 =	vperm.xlane v16, v6;
	v41 =	vadd.f32 v39, v17  }
0x90: {  	v14 =	vadd.f32 v34, v14;
	v47 =	vperm.xlane v20, v6;
	v44 =	vnsel vm14, $0x0, v11  }
0x91: {  	v42 =	vperm.xlane v18, v6;
	v11 =	vadd.f32 v11, v12;
	v15 =	vadd.f32 v44, v41  }
0x92: {  	v16 =	vadd.f32 v48, v16;
	v40 =	vperm.xlane v14, v6;
	v17 =	vadd.f32 v47, v20  }
0x93: {  	v43 =	vadd.f32 v42, v18;
	v50 =	vperm.xlane v11, v6;
	v49 =	vperm.xlane v15, v6  }
0x94: {  	v54 =	vperm.xlane v16, v7;
	v14 =	vadd.f32 v40, v14;
	v53 =	vperm.xlane v17, v7  }
0x95: {  	v46 =	vperm.xlane v43, v7;
	v11 =	vadd.f32 v50, v11;
	v13 =	vadd.f32 v49, v15  }
0x96: {  	v16 =	vadd.f32 v54, v16;
	v45 =	vperm.xlane v14, v7;
	v15 =	vadd.f32 v53, v17  }
0x97: {  	v12 =	vadd.f32 v46, v43;
	v56 =	vperm.xlane v11, v7;
	v55 =	vperm.xlane v13, v7  }
0x98: {  	v19 =	vperm.xlane v16, v8;
	v14 =	vadd.f32 v45, v14;
	v58 =	vperm.xlane v15, v8  }
0x99: {  	v52 =	vperm.xlane v12, v8;
	v11 =	vadd.f32 v56, v11;
	v13 =	vadd.f32 v55, v13  }
0x9a: {  	v16 =	vadd.f32 v19, v16;
	v51 =	vperm.xlane v14, v8;
	v15 =	vadd.f32 v58, v15  }
0x9b: {  	v12 =	vadd.f32 v52, v12;
	v20 =	vperm.xlane v11, v8;
	v59 =	vperm.xlane v13, v8  }
0x9c: {  	v61 =	vperm.xlane v16, v9;
	v14 =	vadd.f32 v51, v14;
	v60 =	vperm.xlane v15, v9  }
0x9d: {  	v57 =	vperm.xlane v12, v9;
	v11 =	vadd.f32 v20, v11;
	v13 =	vadd.f32 v59, v13  }
0x9e: {  	v16 =	vadd.f32 v61, v16;
	v21 =	vperm.xlane v14, v9;
	v15 =	vadd.f32 v60, v15  }
0x9f: {  	v12 =	vadd.f32 v57, v12;
	v20 =	vperm.xlane v11, v9;
	v62 =	vperm.xlane v13, v9  }
0xa0: {  	vm4 =	veq.s32 v10, v5;
	v14 =	vadd.f32 v21, v14;
	v10 =	vsub.f32 v16, v15  }
0xa1: {  	v11 =	vadd.f32 v20, v11;
	v13 =	vadd.f32 v62, v13  }
0xa2: {  	v12 =	vsub.f32 v12, v14  }
0xa3: {  	v63 =	vnsel vm3, $0x0, v15;
	v10 =	vnsel vm4, $0x0, v10;
	v11 =	vsub.f32 v11, v13  }
0xa4: {  	v14 =	vnsel vm3, $0x0, v14;
	v10 =	vadd.f32 v10, v63;
	v12 =	vnsel vm4, $0x0, v12  }
0xa5: {  	v13 =	vnsel vm3, $0x0, v13;
	v12 =	vadd.f32 v12, v14;
	v11 =	vnsel vm4, $0x0, v11  }
0xa6: {  	s16 =	sadd.s32 $0x1, s16;
	[tilespmem:$0x500] =	vst v10;
	v11 =	vadd.f32 v11, v13  }
0xa7: {  	p0 =	sne.s32 s16, s7;
	[tilespmem:$0x480] =	vst v12  }
.Ltmp1:
0xa8: {  	[tilespmem:$0x580] =	vst v11;
	(pc) =	sbr.rel @p0 .LBB2_1-.Ltmp1, $4  }
0xa9: {  	[hbm4b:s6+s3] =	stream.linear.scatter [tilespmem:s14], [sflag:$0x4], $0x180, $0x38;
	[tilespmem:$0x680] =	vst v63  }
0xaa: {  	_ =	swait.ge [sflag:s15], $0x180  }
0xab: {  	[sflag:s15] =	ssyncset.done $0x0  }
0xac: {  	[sflag:s15] =	ssyncadd.s32 $0xFFFFFE80  }
0xad: {  	_ =	sfence.sel $0x180000  }
0xae: {  	[bflag:$0x0] =	sbarrier.arrive $0xFFFF  }
0xaf: {  	p0 =	sne.s32 s0, $0x0;
	_ =	strace $0x90000047  }
0xb0: {  	s0 =	sadd.s32 @!p0 $0x100000, s2;
	[bflag:$0x2] =	sbarrier.arrive $0xFFFF  }
0xb1: {  	[sflag:s0] =	ssyncadd.tile.s32 @!p0 $0x1;
	_ =	shalt  }
.Lfunc_end2:
_tile_overlayer_lowered:
.L_overlay_start_2:
0xb2: {  	(tag) =	ssettag $0x2  }
0xb3: {  	s0 =	rddreg [dreg:$0x0];
	s2 =	stileid.u32  }
0xb4: {  	s1 =	rddreg [dreg:$0x1];
	p0 =	sne.s32 s2, $0x0  }
0xb5: {  	s3 =	rddreg [dreg:$0x2];
	[bflag:$0x3] =	sbarrier.arrive $0xFFFF;
	s2 =	simm.s32 @!p0 $0x1C04  }
0xb6: {  	[timem:s3], [sflag:s2] =	dma.local @!p0 [hbm:s0], s1  }
0xb7: {  	s0 =	simm.s32 @!p0 $0x4  }
0xb8: {  	_ =	swait.ge @!p0 [sflag:s0], s1  }
0xb9: {  	s1 =	ssub.s32 @!p0 $0x0, s1;
	[sflag:s0] =	ssyncset.done @!p0 $0x0  }
0xba: {  	[sflag:s0] =	ssyncadd.s32 @!p0 s1  }
0xbb: {  	[bflag:$0x3] =	sbarrier.arrive $0xFFFF  }
0xbc: {  	_ =	shalt  }

</sc_bundles>
